<compile_context>
chip_gen: v7x
topology: tpu7x:2x2x1
jax: 0.10.2.dev20260603
libtpu: 0.0.44.dev20260713+nightly
codegen_flags: <defaults>
</compile_context>

<pallas_src>
import functools

import jax
import jax.numpy as jnp
from jax import lax
from jax.experimental import pallas as pl
from jax.experimental.pallas import tpu as pltpu
from jax.experimental.pallas import tpu_sc as plsc

_L = 16
_NC = 2
_NS = 16


@functools.lru_cache(maxsize=None)
def _make_sc_argmax(B, S, V, NC):
    NW = NC * _NS
    RPW = B // NW
    BPC = B // NC
    CH = V // _L
    G = _L // RPW
    NCOL = BPC // _L
    mesh = plsc.VectorSubcoreMesh(core_axis_name="c", subcore_axis_name="s",
                                  num_cores=NC)

    @functools.partial(
        pl.kernel,
        out_type=jax.ShapeDtypeStruct((B,), jnp.int32),
        mesh=mesh,
        scratch_types=[
            pltpu.VMEM((RPW, V), jnp.float32),
            pltpu.VMEM((_L,), jnp.int32),
            pltpu.VMEM_SHARED((_NS * _L,), jnp.int32),
            pltpu.VMEM((G * _L,), jnp.int32),
            pltpu.VMEM((_L,), jnp.int32),
            pltpu.SemaphoreType.DMA((RPW,)),
        ],
    )
    def k(probas_hbm, cand_hbm, rows_v, cand_v, shared_c, quad_v, out_c,
          in_sems):
        cid = lax.axis_index("c")
        sid = lax.axis_index("s")
        wid = cid * _NS + sid
        base = wid * RPW
        loads = [
            pltpu.async_copy(probas_hbm.at[base + r, S - 1], rows_v.at[r],
                             in_sems.at[r])
            for r in range(RPW)
        ]
        lane = lax.iota(jnp.int32, _L)
        cand_vec = jnp.zeros((_L,), jnp.int32)
        SETS = 4
        for r in range(RPW):
            loads[r].wait()

            def body(i, carry, r=r):
                out = []
                for j in range(SETS):
                    maxv, maxi, idx = carry[j]
                    v = rows_v[r, pl.ds((i * SETS + j) * _L, _L)]
                    upd = v > maxv
                    out.append((
                        jnp.where(upd, v, maxv),
                        jnp.where(upd, idx, maxi),
                        idx + SETS * _L,
                    ))
                return tuple(out)

            init = tuple(
                (jnp.full((_L,), -jnp.inf, jnp.float32),
                 jnp.zeros((_L,), jnp.int32),
                 lane + j * _L)
                for j in range(SETS))
            acc = lax.fori_loop(0, CH // SETS, body, init, unroll=2)
            maxv, maxi, _ = acc[0]
            for j in range(1, SETS):
                ov, oi, _ = acc[j]
                upd = (ov > maxv) | ((ov == maxv) & (oi < maxi))
                maxv = jnp.where(upd, ov, maxv)
                maxi = jnp.where(upd, oi, maxi)
            for s in (1, 2, 4, 8):
                perm = jnp.bitwise_xor(lane, s)
                ov = maxv.at[perm].get(mode="promise_in_bounds")
                oi = maxi.at[perm].get(mode="promise_in_bounds")
                upd = (ov > maxv) | ((ov == maxv) & (oi < maxi))
                maxv = jnp.where(upd, ov, maxv)
                maxi = jnp.where(upd, oi, maxi)
            cand_vec = jnp.where(lane == r, maxi, cand_vec)
        cand_v[...] = cand_vec
        pltpu.sync_copy(cand_v, shared_c.at[pl.ds(sid * _L, _L)])
        plsc.subcore_barrier()

        t = sid & (NCOL - 1)
        pltpu.sync_copy(shared_c.at[pl.ds(t * G * _L, G * _L)], quad_v)
        parts = [quad_v[pl.ds(j * _L, _L)] for j in range(G)]
        merged = parts[0]
        for j in range(1, G):
            shuf = parts[j].at[(lane - j * RPW) & (_L - 1)].get(
                mode="promise_in_bounds")
            merged = jnp.where(lane < j * RPW, merged, shuf)
        out_c[...] = merged

        @pl.when(sid < NCOL)
        def _flush():
            pltpu.sync_copy(out_c, cand_hbm.at[pl.ds(cid * BPC + t * _L, _L)])

    return k


@functools.lru_cache(maxsize=None)
def _make_tc_slice_copy(B, S, V):
    CHUNK = 32
    NSLOT = 3
    LA = 2
    n = B // CHUNK

    def body(x_hbm, o_hbm, buf, in_sems, out_sems):
        def start_in(k):
            b = k % NSLOT
            return pltpu.async_copy(
                x_hbm.at[pl.ds(k * CHUNK, CHUNK), S - 1], buf.at[b],
                in_sems.at[b])

        def start_out(k):
            b = k % NSLOT
            return pltpu.async_copy(
                buf.at[b], o_hbm.at[pl.ds(k * CHUNK, CHUNK)], out_sems.at[b])

        ins, outs = {}, {}
        for k in range(min(LA, n)):
            ins[k] = start_in(k)
        for k in range(n):
            ins[k].wait()
            outs[k] = start_out(k)
            nk = k + LA
            if nk < n:
                if nk >= NSLOT:
                    outs[nk - NSLOT].wait()
                ins[nk] = start_in(nk)
        for k in range(max(0, n - NSLOT), n):
            outs[k].wait()

    return pl.pallas_call(
        body,
        in_specs=[pl.BlockSpec(memory_space=pl.ANY)],
        out_specs=pl.BlockSpec(memory_space=pl.ANY),
        out_shape=jax.ShapeDtypeStruct((B, V), jnp.float32),
        scratch_shapes=[
            pltpu.VMEM((NSLOT, CHUNK, V), jnp.float32),
            pltpu.SemaphoreType.DMA((NSLOT,)),
            pltpu.SemaphoreType.DMA((NSLOT,)),
        ],
    )


def kernel(probas, greedy):
    B, S, V = probas.shape
    cand = _make_sc_argmax(B, S, V, _NC)(probas)
    dist = _make_tc_slice_copy(B, S, V)(probas)
    return (cand.reshape(B, 1), dist)

# --- scband reference (transcript-rebuilt; emitter-appended) ---
"""Pipeline reference for scband-candidate-generator-17910013624898 (READ-ONLY COPY).

The authoritative reference and input builder live on the scoring server;
editing this copy changes nothing except your own understanding.
"""

import jax, jax.numpy as jnp
import numpy as np


def setup_inputs(seed: int = 0) -> dict:
    key = jax.random.key(seed)
    probas = jax.random.uniform(key, (128, 32, 8192), dtype=jnp.float32)
    return {"probas": probas, "greedy": True}


def reference(probas, greedy):
    batch_size = probas.shape[0]
    probas_dist = probas[:, -1, :]
    # greedy=True path: argmax over candidate dimension
    candidate = jnp.argmax(probas_dist, axis=1)
    candidate = candidate.reshape(batch_size, 1)
    return (candidate, probas_dist)

if __name__ == "__main__":
    import jax
    _d = setup_inputs()
    print(jax.jit(kernel)(*tuple(_d.values())))

</pallas_src>

<mosaic_0001>
#map = affine_map<(d0, d1) -> (0, 0, 0)>
#map1 = affine_map<(d0, d1) -> (0)>
module attributes {stable_mosaic.version = 14 : i64} {
  func.func @k(%arg0: i32, %arg1: i32, %arg2: memref<128x32x8192xf32, #tpu.memory_space<hbm>>, %arg3: memref<128xi32, #tpu.memory_space<hbm>>, %arg4: memref<4x8192xf32, #tpu.memory_space<vmem>>, %arg5: memref<16xi32, #tpu.memory_space<vmem>>, %arg6: memref<256xi32, #tpu.memory_space<vmem_shared>>, %arg7: memref<64xi32, #tpu.memory_space<vmem>>, %arg8: memref<16xi32, #tpu.memory_space<vmem>>, %arg9: memref<4x!tpu.dma_semaphore, #tpu.memory_space<semaphore_mem>>) attributes {dimension_semantics = [#tpu.dimension_semantics<core_parallel>, #tpu.dimension_semantics<subcore_parallel>], iteration_bounds = array<i64: 2, 16>, scalar_prefetch = 0 : i64, scratch_operands = 6 : i64, tpu.core_type = #tpu.core_type<sc_vector_subcore>, window_params = [{transform_indices = #map}, {transform_indices = #map1}]} {
    %mul3A = arith.constant 16 : i32
    %mul3A_0 = arith.muli %arg0, %mul3A : i32
    %add3A = arith.addi %mul3A_0, %arg1 : i32
    %mul3A_1 = arith.constant 4 : i32
    %mul3A_2 = arith.muli %add3A, %mul3A_1 : i32
    %add3A_3 = arith.constant 0 : i32
    %add3A_4 = arith.addi %mul3A_2, %add3A_3 : i32
    %dma_start3A = arith.constant 31 : i32
    %dma_start3A_5 = arith.constant 0 : i32
    %dma_start3A_6 = arith.constant 0 : i32
    %dma_start3A_7 = arith.constant 0 : i32
    %dma_start3A_8 = tpu.memref_slice %arg4[%dma_start3A_5, %dma_start3A_7] : memref<4x8192xf32, #tpu.memory_space<vmem>> -> memref<1x8192xf32, #tpu.memory_space<vmem>>
    %dma_start3A_9 = tpu.memref_squeeze %dma_start3A_8 : memref<1x8192xf32, #tpu.memory_space<vmem>> -> memref<8192xf32, #tpu.memory_space<vmem>>
    %dma_start3A_10 = arith.constant 0 : i32
    %dma_start3A_11 = tpu.memref_slice %arg2[%add3A_4, %dma_start3A, %dma_start3A_10] : memref<128x32x8192xf32, #tpu.memory_space<hbm>> -> memref<1x1x8192xf32, #tpu.memory_space<hbm>>
    %dma_start3A_12 = tpu.memref_squeeze %dma_start3A_11 : memref<1x1x8192xf32, #tpu.memory_space<hbm>> -> memref<8192xf32, #tpu.memory_space<hbm>>
    %dma_start3A_13 = tpu.memref_slice %arg9[%dma_start3A_6] : memref<4x!tpu.dma_semaphore, #tpu.memory_space<semaphore_mem>> -> memref<1x!tpu.dma_semaphore, #tpu.memory_space<semaphore_mem>>
    %dma_start3A_14 = tpu.memref_squeeze %dma_start3A_13 : memref<1x!tpu.dma_semaphore, #tpu.memory_space<semaphore_mem>> -> memref<!tpu.dma_semaphore, #tpu.memory_space<semaphore_mem>>
    %dma_start3A_15 = arith.constant 0 : i32
    %dma_start3A_16 = tpu.memref_slice %arg4[%dma_start3A_5, %dma_start3A_15] : memref<4x8192xf32, #tpu.memory_space<vmem>> -> memref<1x8192xf32, #tpu.memory_space<vmem>>
    %dma_start3A_17 = tpu.memref_squeeze %dma_start3A_16 : memref<1x8192xf32, #tpu.memory_space<vmem>> -> memref<8192xf32, #tpu.memory_space<vmem>>
    %dma_start3A_18 = arith.constant 0 : i32
    %dma_start3A_19 = tpu.memref_slice %arg2[%add3A_4, %dma_start3A, %dma_start3A_18] : memref<128x32x8192xf32, #tpu.memory_space<hbm>> -> memref<1x1x8192xf32, #tpu.memory_space<hbm>>
    %dma_start3A_20 = tpu.memref_squeeze %dma_start3A_19 : memref<1x1x8192xf32, #tpu.memory_space<hbm>> -> memref<8192xf32, #tpu.memory_space<hbm>>
    tpu.enqueue_dma source(%dma_start3A_20 : memref<8192xf32, #tpu.memory_space<hbm>>) target(%dma_start3A_17 : memref<8192xf32, #tpu.memory_space<vmem>>) target_semaphore(%dma_start3A_14 : memref<!tpu.dma_semaphore, #tpu.memory_space<semaphore_mem>>)
    %add3A_21 = arith.constant 1 : i32
    %add3A_22 = arith.addi %mul3A_2, %add3A_21 : i32
    %dma_start3A_23 = arith.constant 31 : i32
    %dma_start3A_24 = arith.constant 1 : i32
    %dma_start3A_25 = arith.constant 1 : i32
    %dma_start3A_26 = arith.constant 0 : i32
    %dma_start3A_27 = tpu.memref_slice %arg4[%dma_start3A_24, %dma_start3A_26] : memref<4x8192xf32, #tpu.memory_space<vmem>> -> memref<1x8192xf32, #tpu.memory_space<vmem>>
    %dma_start3A_28 = tpu.memref_squeeze %dma_start3A_27 : memref<1x8192xf32, #tpu.memory_space<vmem>> -> memref<8192xf32, #tpu.memory_space<vmem>>
    %dma_start3A_29 = arith.constant 0 : i32
    %dma_start3A_30 = tpu.memref_slice %arg2[%add3A_22, %dma_start3A_23, %dma_start3A_29] : memref<128x32x8192xf32, #tpu.memory_space<hbm>> -> memref<1x1x8192xf32, #tpu.memory_space<hbm>>
    %dma_start3A_31 = tpu.memref_squeeze %dma_start3A_30 : memref<1x1x8192xf32, #tpu.memory_space<hbm>> -> memref<8192xf32, #tpu.memory_space<hbm>>
    %dma_start3A_32 = tpu.memref_slice %arg9[%dma_start3A_25] : memref<4x!tpu.dma_semaphore, #tpu.memory_space<semaphore_mem>> -> memref<1x!tpu.dma_semaphore, #tpu.memory_space<semaphore_mem>>
    %dma_start3A_33 = tpu.memref_squeeze %dma_start3A_32 : memref<1x!tpu.dma_semaphore, #tpu.memory_space<semaphore_mem>> -> memref<!tpu.dma_semaphore, #tpu.memory_space<semaphore_mem>>
    %dma_start3A_34 = arith.constant 0 : i32
    %dma_start3A_35 = tpu.memref_slice %arg4[%dma_start3A_24, %dma_start3A_34] : memref<4x8192xf32, #tpu.memory_space<vmem>> -> memref<1x8192xf32, #tpu.memory_space<vmem>>
    %dma_start3A_36 = tpu.memref_squeeze %dma_start3A_35 : memref<1x8192xf32, #tpu.memory_space<vmem>> -> memref<8192xf32, #tpu.memory_space<vmem>>
    %dma_start3A_37 = arith.constant 0 : i32
    %dma_start3A_38 = tpu.memref_slice %arg2[%add3A_22, %dma_start3A_23, %dma_start3A_37] : memref<128x32x8192xf32, #tpu.memory_space<hbm>> -> memref<1x1x8192xf32, #tpu.memory_space<hbm>>
    %dma_start3A_39 = tpu.memref_squeeze %dma_start3A_38 : memref<1x1x8192xf32, #tpu.memory_space<hbm>> -> memref<8192xf32, #tpu.memory_space<hbm>>
    tpu.enqueue_dma source(%dma_start3A_39 : memref<8192xf32, #tpu.memory_space<hbm>>) target(%dma_start3A_36 : memref<8192xf32, #tpu.memory_space<vmem>>) target_semaphore(%dma_start3A_33 : memref<!tpu.dma_semaphore, #tpu.memory_space<semaphore_mem>>)
    %add3A_40 = arith.constant 2 : i32
    %add3A_41 = arith.addi %mul3A_2, %add3A_40 : i32
    %dma_start3A_42 = arith.constant 31 : i32
    %dma_start3A_43 = arith.constant 2 : i32
    %dma_start3A_44 = arith.constant 2 : i32
    %dma_start3A_45 = arith.constant 0 : i32
    %dma_start3A_46 = tpu.memref_slice %arg4[%dma_start3A_43, %dma_start3A_45] : memref<4x8192xf32, #tpu.memory_space<vmem>> -> memref<1x8192xf32, #tpu.memory_space<vmem>>
    %dma_start3A_47 = tpu.memref_squeeze %dma_start3A_46 : memref<1x8192xf32, #tpu.memory_space<vmem>> -> memref<8192xf32, #tpu.memory_space<vmem>>
    %dma_start3A_48 = arith.constant 0 : i32
    %dma_start3A_49 = tpu.memref_slice %arg2[%add3A_41, %dma_start3A_42, %dma_start3A_48] : memref<128x32x8192xf32, #tpu.memory_space<hbm>> -> memref<1x1x8192xf32, #tpu.memory_space<hbm>>
    %dma_start3A_50 = tpu.memref_squeeze %dma_start3A_49 : memref<1x1x8192xf32, #tpu.memory_space<hbm>> -> memref<8192xf32, #tpu.memory_space<hbm>>
    %dma_start3A_51 = tpu.memref_slice %arg9[%dma_start3A_44] : memref<4x!tpu.dma_semaphore, #tpu.memory_space<semaphore_mem>> -> memref<1x!tpu.dma_semaphore, #tpu.memory_space<semaphore_mem>>
    %dma_start3A_52 = tpu.memref_squeeze %dma_start3A_51 : memref<1x!tpu.dma_semaphore, #tpu.memory_space<semaphore_mem>> -> memref<!tpu.dma_semaphore, #tpu.memory_space<semaphore_mem>>
    %dma_start3A_53 = arith.constant 0 : i32
    %dma_start3A_54 = tpu.memref_slice %arg4[%dma_start3A_43, %dma_start3A_53] : memref<4x8192xf32, #tpu.memory_space<vmem>> -> memref<1x8192xf32, #tpu.memory_space<vmem>>
    %dma_start3A_55 = tpu.memref_squeeze %dma_start3A_54 : memref<1x8192xf32, #tpu.memory_space<vmem>> -> memref<8192xf32, #tpu.memory_space<vmem>>
    %dma_start3A_56 = arith.constant 0 : i32
    %dma_start3A_57 = tpu.memref_slice %arg2[%add3A_41, %dma_start3A_42, %dma_start3A_56] : memref<128x32x8192xf32, #tpu.memory_space<hbm>> -> memref<1x1x8192xf32, #tpu.memory_space<hbm>>
    %dma_start3A_58 = tpu.memref_squeeze %dma_start3A_57 : memref<1x1x8192xf32, #tpu.memory_space<hbm>> -> memref<8192xf32, #tpu.memory_space<hbm>>
    tpu.enqueue_dma source(%dma_start3A_58 : memref<8192xf32, #tpu.memory_space<hbm>>) target(%dma_start3A_55 : memref<8192xf32, #tpu.memory_space<vmem>>) target_semaphore(%dma_start3A_52 : memref<!tpu.dma_semaphore, #tpu.memory_space<semaphore_mem>>)
    %add3A_59 = arith.constant 3 : i32
    %add3A_60 = arith.addi %mul3A_2, %add3A_59 : i32
    %dma_start3A_61 = arith.constant 31 : i32
    %dma_start3A_62 = arith.constant 3 : i32
    %dma_start3A_63 = arith.constant 3 : i32
    %dma_start3A_64 = arith.constant 0 : i32
    %dma_start3A_65 = tpu.memref_slice %arg4[%dma_start3A_62, %dma_start3A_64] : memref<4x8192xf32, #tpu.memory_space<vmem>> -> memref<1x8192xf32, #tpu.memory_space<vmem>>
    %dma_start3A_66 = tpu.memref_squeeze %dma_start3A_65 : memref<1x8192xf32, #tpu.memory_space<vmem>> -> memref<8192xf32, #tpu.memory_space<vmem>>
    %dma_start3A_67 = arith.constant 0 : i32
    %dma_start3A_68 = tpu.memref_slice %arg2[%add3A_60, %dma_start3A_61, %dma_start3A_67] : memref<128x32x8192xf32, #tpu.memory_space<hbm>> -> memref<1x1x8192xf32, #tpu.memory_space<hbm>>
    %dma_start3A_69 = tpu.memref_squeeze %dma_start3A_68 : memref<1x1x8192xf32, #tpu.memory_space<hbm>> -> memref<8192xf32, #tpu.memory_space<hbm>>
    %dma_start3A_70 = tpu.memref_slice %arg9[%dma_start3A_63] : memref<4x!tpu.dma_semaphore, #tpu.memory_space<semaphore_mem>> -> memref<1x!tpu.dma_semaphore, #tpu.memory_space<semaphore_mem>>
    %dma_start3A_71 = tpu.memref_squeeze %dma_start3A_70 : memref<1x!tpu.dma_semaphore, #tpu.memory_space<semaphore_mem>> -> memref<!tpu.dma_semaphore, #tpu.memory_space<semaphore_mem>>
    %dma_start3A_72 = arith.constant 0 : i32
    %dma_start3A_73 = tpu.memref_slice %arg4[%dma_start3A_62, %dma_start3A_72] : memref<4x8192xf32, #tpu.memory_space<vmem>> -> memref<1x8192xf32, #tpu.memory_space<vmem>>
    %dma_start3A_74 = tpu.memref_squeeze %dma_start3A_73 : memref<1x8192xf32, #tpu.memory_space<vmem>> -> memref<8192xf32, #tpu.memory_space<vmem>>
    %dma_start3A_75 = arith.constant 0 : i32
    %dma_start3A_76 = tpu.memref_slice %arg2[%add3A_60, %dma_start3A_61, %dma_start3A_75] : memref<128x32x8192xf32, #tpu.memory_space<hbm>> -> memref<1x1x8192xf32, #tpu.memory_space<hbm>>
    %dma_start3A_77 = tpu.memref_squeeze %dma_start3A_76 : memref<1x1x8192xf32, #tpu.memory_space<hbm>> -> memref<8192xf32, #tpu.memory_space<hbm>>
    tpu.enqueue_dma source(%dma_start3A_77 : memref<8192xf32, #tpu.memory_space<hbm>>) target(%dma_start3A_74 : memref<8192xf32, #tpu.memory_space<vmem>>) target_semaphore(%dma_start3A_71 : memref<!tpu.dma_semaphore, #tpu.memory_space<semaphore_mem>>)
    %iota3A = tpu.iota {dimensions = array<i32: 0>} : vector<16xi32>
    %broadcast_in_dim3A = arith.constant 0 : i32
    %broadcast_in_dim3A_78 = vector.broadcast %broadcast_in_dim3A : i32 to vector<16xi32>
    %dma_wait3A = arith.constant 31 : i32
    %dma_wait3A_79 = arith.constant 0 : i32
    %dma_wait3A_80 = arith.constant 0 : i32
    %dma_wait3A_81 = arith.constant 0 : i32
    %dma_wait3A_82 = tpu.memref_slice %arg4[%dma_wait3A_79, %dma_wait3A_81] : memref<4x8192xf32, #tpu.memory_space<vmem>> -> memref<1x8192xf32, #tpu.memory_space<vmem>>
    %dma_wait3A_83 = tpu.memref_squeeze %dma_wait3A_82 : memref<1x8192xf32, #tpu.memory_space<vmem>> -> memref<8192xf32, #tpu.memory_space<vmem>>
    %dma_wait3A_84 = arith.constant 0 : i32
    %dma_wait3A_85 = tpu.memref_slice %arg2[%add3A_4, %dma_wait3A, %dma_wait3A_84] : memref<128x32x8192xf32, #tpu.memory_space<hbm>> -> memref<1x1x8192xf32, #tpu.memory_space<hbm>>
    %dma_wait3A_86 = tpu.memref_squeeze %dma_wait3A_85 : memref<1x1x8192xf32, #tpu.memory_space<hbm>> -> memref<8192xf32, #tpu.memory_space<hbm>>
    %dma_wait3A_87 = tpu.memref_slice %arg9[%dma_wait3A_80] : memref<4x!tpu.dma_semaphore, #tpu.memory_space<semaphore_mem>> -> memref<1x!tpu.dma_semaphore, #tpu.memory_space<semaphore_mem>>
    %dma_wait3A_88 = tpu.memref_squeeze %dma_wait3A_87 : memref<1x!tpu.dma_semaphore, #tpu.memory_space<semaphore_mem>> -> memref<!tpu.dma_semaphore, #tpu.memory_space<semaphore_mem>>
    %dma_wait3A_89 = arith.constant 0 : i32
    %dma_wait3A_90 = tpu.memref_slice %arg4[%dma_wait3A_79, %dma_wait3A_89] : memref<4x8192xf32, #tpu.memory_space<vmem>> -> memref<1x8192xf32, #tpu.memory_space<vmem>>
    %dma_wait3A_91 = tpu.memref_squeeze %dma_wait3A_90 : memref<1x8192xf32, #tpu.memory_space<vmem>> -> memref<8192xf32, #tpu.memory_space<vmem>>
    %dma_wait3A_92 = arith.constant 0 : i32
    %dma_wait3A_93 = tpu.memref_slice %arg2[%add3A_4, %dma_wait3A, %dma_wait3A_92] : memref<128x32x8192xf32, #tpu.memory_space<hbm>> -> memref<1x1x8192xf32, #tpu.memory_space<hbm>>
    %dma_wait3A_94 = tpu.memref_squeeze %dma_wait3A_93 : memref<1x1x8192xf32, #tpu.memory_space<hbm>> -> memref<8192xf32, #tpu.memory_space<hbm>>
    tpu.wait_dma2 semaphore(%dma_wait3A_88 : memref<!tpu.dma_semaphore, #tpu.memory_space<semaphore_mem>>) src(%dma_wait3A_94 : memref<8192xf32, #tpu.memory_space<hbm>>) dst(%dma_wait3A_91 : memref<8192xf32, #tpu.memory_space<vmem>>)
    %broadcast_in_dim3A_95 = arith.constant 0xFF800000 : f32
    %broadcast_in_dim3A_96 = vector.broadcast %broadcast_in_dim3A_95 : f32 to vector<16xf32>
    %broadcast_in_dim3A_97 = arith.constant 0 : i32
    %broadcast_in_dim3A_98 = vector.broadcast %broadcast_in_dim3A_97 : i32 to vector<16xi32>
    %add3A_99 = arith.constant 0 : i32
    %add3A_100 = vector.broadcast %add3A_99 : i32 to vector<16xi32>
    %add3A_101 = arith.addi %iota3A, %add3A_100 : vector<16xi32>
    %broadcast_in_dim3A_102 = arith.constant 0xFF800000 : f32
    %broadcast_in_dim3A_103 = vector.broadcast %broadcast_in_dim3A_102 : f32 to vector<16xf32>
    %broadcast_in_dim3A_104 = arith.constant 0 : i32
    %broadcast_in_dim3A_105 = vector.broadcast %broadcast_in_dim3A_104 : i32 to vector<16xi32>
    %add3A_106 = arith.constant 16 : i32
    %add3A_107 = vector.broadcast %add3A_106 : i32 to vector<16xi32>
    %add3A_108 = arith.addi %iota3A, %add3A_107 : vector<16xi32>
    %broadcast_in_dim3A_109 = arith.constant 0xFF800000 : f32
    %broadcast_in_dim3A_110 = vector.broadcast %broadcast_in_dim3A_109 : f32 to vector<16xf32>
    %broadcast_in_dim3A_111 = arith.constant 0 : i32
    %broadcast_in_dim3A_112 = vector.broadcast %broadcast_in_dim3A_111 : i32 to vector<16xi32>
    %add3A_113 = arith.constant 32 : i32
    %add3A_114 = vector.broadcast %add3A_113 : i32 to vector<16xi32>
    %add3A_115 = arith.addi %iota3A, %add3A_114 : vector<16xi32>
    %broadcast_in_dim3A_116 = arith.constant 0xFF800000 : f32
    %broadcast_in_dim3A_117 = vector.broadcast %broadcast_in_dim3A_116 : f32 to vector<16xf32>
    %broadcast_in_dim3A_118 = arith.constant 0 : i32
    %broadcast_in_dim3A_119 = vector.broadcast %broadcast_in_dim3A_118 : i32 to vector<16xi32>
    %add3A_120 = arith.constant 48 : i32
    %add3A_121 = vector.broadcast %add3A_120 : i32 to vector<16xi32>
    %add3A_122 = arith.addi %iota3A, %add3A_121 : vector<16xi32>
    %scan3A = arith.constant 0 : i32
    %scan3A_123 = arith.constant 128 : i32
    %scan3A_124 = arith.addi %scan3A, %scan3A_123 : i32
    %scan3A_125 = arith.constant 2 : i32
    %scan3A_126:12 = scf.for %scan3A_941 = %scan3A to %scan3A_124 step %scan3A_125 iter_args(%scan3A_942 = %broadcast_in_dim3A_96, %scan3A_943 = %broadcast_in_dim3A_98, %scan3A_944 = %add3A_101, %scan3A_945 = %broadcast_in_dim3A_103, %scan3A_946 = %broadcast_in_dim3A_105, %scan3A_947 = %add3A_108, %scan3A_948 = %broadcast_in_dim3A_110, %scan3A_949 = %broadcast_in_dim3A_112, %scan3A_950 = %add3A_115, %scan3A_951 = %broadcast_in_dim3A_117, %scan3A_952 = %broadcast_in_dim3A_119, %scan3A_953 = %add3A_122) -> (vector<16xf32>, vector<16xi32>, vector<16xi32>, vector<16xf32>, vector<16xi32>, vector<16xi32>, vector<16xf32>, vector<16xi32>, vector<16xi32>, vector<16xf32>, vector<16xi32>, vector<16xi32>)  : i32 {
      %mul3A_954 = arith.constant 4 : i32
      %mul3A_955 = arith.muli %scan3A_941, %mul3A_954 : i32
      %add3A_956 = arith.constant 0 : i32
      %add3A_957 = arith.addi %mul3A_955, %add3A_956 : i32
      %mul3A_958 = arith.constant 16 : i32
      %mul3A_959 = arith.muli %add3A_957, %mul3A_958 : i32
      %get3A_960 = arith.constant 0 : i32
      %get3A_961 = arith.index_cast %get3A_960 : i32 to index
      %get3A_962 = arith.index_cast %mul3A_959 : i32 to index
      %get3A_963 = tpu.vector_load %arg4[%get3A_961, %get3A_962] {strides = array<i32>} : memref<4x8192xf32, #tpu.memory_space<vmem>>, vector<1x16xf32>,
      %get3A_964 = vector.shape_cast %get3A_963 : vector<1x16xf32> to vector<16xf32>
      %gt3A_965 = arith.cmpf ogt, %get3A_964, %scan3A_942 : vector<16xf32>
      %select_n3A_966 = arith.select %gt3A_965, %get3A_964, %scan3A_942 : vector<16xi1>, vector<16xf32>
      %select_n3A_967 = arith.select %gt3A_965, %scan3A_944, %scan3A_943 : vector<16xi1>, vector<16xi32>
      %add3A_968 = arith.constant 64 : i32
      %add3A_969 = vector.broadcast %add3A_968 : i32 to vector<16xi32>
      %add3A_970 = arith.addi %scan3A_944, %add3A_969 : vector<16xi32>
      %mul3A_971 = arith.constant 4 : i32
      %mul3A_972 = arith.muli %scan3A_941, %mul3A_971 : i32
      %add3A_973 = arith.constant 1 : i32
      %add3A_974 = arith.addi %mul3A_972, %add3A_973 : i32
      %mul3A_975 = arith.constant 16 : i32
      %mul3A_976 = arith.muli %add3A_974, %mul3A_975 : i32
      %get3A_977 = arith.constant 0 : i32
      %get3A_978 = arith.index_cast %get3A_977 : i32 to index
      %get3A_979 = arith.index_cast %mul3A_976 : i32 to index
      %get3A_980 = tpu.vector_load %arg4[%get3A_978, %get3A_979] {strides = array<i32>} : memref<4x8192xf32, #tpu.memory_space<vmem>>, vector<1x16xf32>,
      %get3A_981 = vector.shape_cast %get3A_980 : vector<1x16xf32> to vector<16xf32>
      %gt3A_982 = arith.cmpf ogt, %get3A_981, %scan3A_945 : vector<16xf32>
      %select_n3A_983 = arith.select %gt3A_982, %get3A_981, %scan3A_945 : vector<16xi1>, vector<16xf32>
      %select_n3A_984 = arith.select %gt3A_982, %scan3A_947, %scan3A_946 : vector<16xi1>, vector<16xi32>
      %add3A_985 = arith.constant 64 : i32
      %add3A_986 = vector.broadcast %add3A_985 : i32 to vector<16xi32>
      %add3A_987 = arith.addi %scan3A_947, %add3A_986 : vector<16xi32>
      %mul3A_988 = arith.constant 4 : i32
      %mul3A_989 = arith.muli %scan3A_941, %mul3A_988 : i32
      %add3A_990 = arith.constant 2 : i32
      %add3A_991 = arith.addi %mul3A_989, %add3A_990 : i32
      %mul3A_992 = arith.constant 16 : i32
      %mul3A_993 = arith.muli %add3A_991, %mul3A_992 : i32
      %get3A_994 = arith.constant 0 : i32
      %get3A_995 = arith.index_cast %get3A_994 : i32 to index
      %get3A_996 = arith.index_cast %mul3A_993 : i32 to index
      %get3A_997 = tpu.vector_load %arg4[%get3A_995, %get3A_996] {strides = array<i32>} : memref<4x8192xf32, #tpu.memory_space<vmem>>, vector<1x16xf32>,
      %get3A_998 = vector.shape_cast %get3A_997 : vector<1x16xf32> to vector<16xf32>
      %gt3A_999 = arith.cmpf ogt, %get3A_998, %scan3A_948 : vector<16xf32>
      %select_n3A_1000 = arith.select %gt3A_999, %get3A_998, %scan3A_948 : vector<16xi1>, vector<16xf32>
      %select_n3A_1001 = arith.select %gt3A_999, %scan3A_950, %scan3A_949 : vector<16xi1>, vector<16xi32>
      %add3A_1002 = arith.constant 64 : i32
      %add3A_1003 = vector.broadcast %add3A_1002 : i32 to vector<16xi32>
      %add3A_1004 = arith.addi %scan3A_950, %add3A_1003 : vector<16xi32>
      %mul3A_1005 = arith.constant 4 : i32
      %mul3A_1006 = arith.muli %scan3A_941, %mul3A_1005 : i32
      %add3A_1007 = arith.constant 3 : i32
      %add3A_1008 = arith.addi %mul3A_1006, %add3A_1007 : i32
      %mul3A_1009 = arith.constant 16 : i32
      %mul3A_1010 = arith.muli %add3A_1008, %mul3A_1009 : i32
      %get3A_1011 = arith.constant 0 : i32
      %get3A_1012 = arith.index_cast %get3A_1011 : i32 to index
      %get3A_1013 = arith.index_cast %mul3A_1010 : i32 to index
      %get3A_1014 = tpu.vector_load %arg4[%get3A_1012, %get3A_1013] {strides = array<i32>} : memref<4x8192xf32, #tpu.memory_space<vmem>>, vector<1x16xf32>,
      %get3A_1015 = vector.shape_cast %get3A_1014 : vector<1x16xf32> to vector<16xf32>
      %gt3A_1016 = arith.cmpf ogt, %get3A_1015, %scan3A_951 : vector<16xf32>
      %select_n3A_1017 = arith.select %gt3A_1016, %get3A_1015, %scan3A_951 : vector<16xi1>, vector<16xf32>
      %select_n3A_1018 = arith.select %gt3A_1016, %scan3A_953, %scan3A_952 : vector<16xi1>, vector<16xi32>
      %add3A_1019 = arith.constant 64 : i32
      %add3A_1020 = vector.broadcast %add3A_1019 : i32 to vector<16xi32>
      %add3A_1021 = arith.addi %scan3A_953, %add3A_1020 : vector<16xi32>
      %scan3A_1022 = arith.constant 1 : i32
      %scan3A_1023 = arith.addi %scan3A_941, %scan3A_1022 : i32
      %mul3A_1024 = arith.constant 4 : i32
      %mul3A_1025 = arith.muli %scan3A_1023, %mul3A_1024 : i32
      %add3A_1026 = arith.constant 0 : i32
      %add3A_1027 = arith.addi %mul3A_1025, %add3A_1026 : i32
      %mul3A_1028 = arith.constant 16 : i32
      %mul3A_1029 = arith.muli %add3A_1027, %mul3A_1028 : i32
      %get3A_1030 = arith.constant 0 : i32
      %get3A_1031 = arith.index_cast %get3A_1030 : i32 to index
      %get3A_1032 = arith.index_cast %mul3A_1029 : i32 to index
      %get3A_1033 = tpu.vector_load %arg4[%get3A_1031, %get3A_1032] {strides = array<i32>} : memref<4x8192xf32, #tpu.memory_space<vmem>>, vector<1x16xf32>,
      %get3A_1034 = vector.shape_cast %get3A_1033 : vector<1x16xf32> to vector<16xf32>
      %gt3A_1035 = arith.cmpf ogt, %get3A_1034, %select_n3A_966 : vector<16xf32>
      %select_n3A_1036 = arith.select %gt3A_1035, %get3A_1034, %select_n3A_966 : vector<16xi1>, vector<16xf32>
      %select_n3A_1037 = arith.select %gt3A_1035, %add3A_970, %select_n3A_967 : vector<16xi1>, vector<16xi32>
      %add3A_1038 = arith.constant 64 : i32
      %add3A_1039 = vector.broadcast %add3A_1038 : i32 to vector<16xi32>
      %add3A_1040 = arith.addi %add3A_970, %add3A_1039 : vector<16xi32>
      %mul3A_1041 = arith.constant 4 : i32
      %mul3A_1042 = arith.muli %scan3A_1023, %mul3A_1041 : i32
      %add3A_1043 = arith.constant 1 : i32
      %add3A_1044 = arith.addi %mul3A_1042, %add3A_1043 : i32
      %mul3A_1045 = arith.constant 16 : i32
      %mul3A_1046 = arith.muli %add3A_1044, %mul3A_1045 : i32
      %get3A_1047 = arith.constant 0 : i32
      %get3A_1048 = arith.index_cast %get3A_1047 : i32 to index
      %get3A_1049 = arith.index_cast %mul3A_1046 : i32 to index
      %get3A_1050 = tpu.vector_load %arg4[%get3A_1048, %get3A_1049] {strides = array<i32>} : memref<4x8192xf32, #tpu.memory_space<vmem>>, vector<1x16xf32>,
      %get3A_1051 = vector.shape_cast %get3A_1050 : vector<1x16xf32> to vector<16xf32>
      %gt3A_1052 = arith.cmpf ogt, %get3A_1051, %select_n3A_983 : vector<16xf32>
      %select_n3A_1053 = arith.select %gt3A_1052, %get3A_1051, %select_n3A_983 : vector<16xi1>, vector<16xf32>
      %select_n3A_1054 = arith.select %gt3A_1052, %add3A_987, %select_n3A_984 : vector<16xi1>, vector<16xi32>
      %add3A_1055 = arith.constant 64 : i32
      %add3A_1056 = vector.broadcast %add3A_1055 : i32 to vector<16xi32>
      %add3A_1057 = arith.addi %add3A_987, %add3A_1056 : vector<16xi32>
      %mul3A_1058 = arith.constant 4 : i32
      %mul3A_1059 = arith.muli %scan3A_1023, %mul3A_1058 : i32
      %add3A_1060 = arith.constant 2 : i32
      %add3A_1061 = arith.addi %mul3A_1059, %add3A_1060 : i32
      %mul3A_1062 = arith.constant 16 : i32
      %mul3A_1063 = arith.muli %add3A_1061, %mul3A_1062 : i32
      %get3A_1064 = arith.constant 0 : i32
      %get3A_1065 = arith.index_cast %get3A_1064 : i32 to index
      %get3A_1066 = arith.index_cast %mul3A_1063 : i32 to index
      %get3A_1067 = tpu.vector_load %arg4[%get3A_1065, %get3A_1066] {strides = array<i32>} : memref<4x8192xf32, #tpu.memory_space<vmem>>, vector<1x16xf32>,
      %get3A_1068 = vector.shape_cast %get3A_1067 : vector<1x16xf32> to vector<16xf32>
      %gt3A_1069 = arith.cmpf ogt, %get3A_1068, %select_n3A_1000 : vector<16xf32>
      %select_n3A_1070 = arith.select %gt3A_1069, %get3A_1068, %select_n3A_1000 : vector<16xi1>, vector<16xf32>
      %select_n3A_1071 = arith.select %gt3A_1069, %add3A_1004, %select_n3A_1001 : vector<16xi1>, vector<16xi32>
      %add3A_1072 = arith.constant 64 : i32
      %add3A_1073 = vector.broadcast %add3A_1072 : i32 to vector<16xi32>
      %add3A_1074 = arith.addi %add3A_1004, %add3A_1073 : vector<16xi32>
      %mul3A_1075 = arith.constant 4 : i32
      %mul3A_1076 = arith.muli %scan3A_1023, %mul3A_1075 : i32
      %add3A_1077 = arith.constant 3 : i32
      %add3A_1078 = arith.addi %mul3A_1076, %add3A_1077 : i32
      %mul3A_1079 = arith.constant 16 : i32
      %mul3A_1080 = arith.muli %add3A_1078, %mul3A_1079 : i32
      %get3A_1081 = arith.constant 0 : i32
      %get3A_1082 = arith.index_cast %get3A_1081 : i32 to index
      %get3A_1083 = arith.index_cast %mul3A_1080 : i32 to index
      %get3A_1084 = tpu.vector_load %arg4[%get3A_1082, %get3A_1083] {strides = array<i32>} : memref<4x8192xf32, #tpu.memory_space<vmem>>, vector<1x16xf32>,
      %get3A_1085 = vector.shape_cast %get3A_1084 : vector<1x16xf32> to vector<16xf32>
      %gt3A_1086 = arith.cmpf ogt, %get3A_1085, %select_n3A_1017 : vector<16xf32>
      %select_n3A_1087 = arith.select %gt3A_1086, %get3A_1085, %select_n3A_1017 : vector<16xi1>, vector<16xf32>
      %select_n3A_1088 = arith.select %gt3A_1086, %add3A_1021, %select_n3A_1018 : vector<16xi1>, vector<16xi32>
      %add3A_1089 = arith.constant 64 : i32
      %add3A_1090 = vector.broadcast %add3A_1089 : i32 to vector<16xi32>
      %add3A_1091 = arith.addi %add3A_1021, %add3A_1090 : vector<16xi32>
      scf.yield %select_n3A_1036, %select_n3A_1037, %add3A_1040, %select_n3A_1053, %select_n3A_1054, %add3A_1057, %select_n3A_1070, %select_n3A_1071, %add3A_1074, %select_n3A_1087, %select_n3A_1088, %add3A_1091 : vector<16xf32>, vector<16xi32>, vector<16xi32>, vector<16xf32>, vector<16xi32>, vector<16xi32>, vector<16xf32>, vector<16xi32>, vector<16xi32>, vector<16xf32>, vector<16xi32>, vector<16xi32>
    }
    %scan3A_127 = arith.constant 128 : i32
    %gt3A = arith.cmpf ogt, %scan3A_126#3, %scan3A_126#0 : vector<16xf32>
    %eq3A = arith.cmpf oeq, %scan3A_126#3, %scan3A_126#0 : vector<16xf32>
    %lt3A = arith.cmpi slt, %scan3A_126#4, %scan3A_126#1 : vector<16xi32>
    %and3A = arith.andi %eq3A, %lt3A : vector<16xi1>
    %or3A = arith.ori %gt3A, %and3A : vector<16xi1>
    %select_n3A = arith.select %or3A, %scan3A_126#3, %scan3A_126#0 : vector<16xi1>, vector<16xf32>
    %select_n3A_128 = arith.select %or3A, %scan3A_126#4, %scan3A_126#1 : vector<16xi1>, vector<16xi32>
    %gt3A_129 = arith.cmpf ogt, %scan3A_126#6, %select_n3A : vector<16xf32>
    %eq3A_130 = arith.cmpf oeq, %scan3A_126#6, %select_n3A : vector<16xf32>
    %lt3A_131 = arith.cmpi slt, %scan3A_126#7, %select_n3A_128 : vector<16xi32>
    %and3A_132 = arith.andi %eq3A_130, %lt3A_131 : vector<16xi1>
    %or3A_133 = arith.ori %gt3A_129, %and3A_132 : vector<16xi1>
    %select_n3A_134 = arith.select %or3A_133, %scan3A_126#6, %select_n3A : vector<16xi1>, vector<16xf32>
    %select_n3A_135 = arith.select %or3A_133, %scan3A_126#7, %select_n3A_128 : vector<16xi1>, vector<16xi32>
    %gt3A_136 = arith.cmpf ogt, %scan3A_126#9, %select_n3A_134 : vector<16xf32>
    %eq3A_137 = arith.cmpf oeq, %scan3A_126#9, %select_n3A_134 : vector<16xf32>
    %lt3A_138 = arith.cmpi slt, %scan3A_126#10, %select_n3A_135 : vector<16xi32>
    %and3A_139 = arith.andi %eq3A_137, %lt3A_138 : vector<16xi1>
    %or3A_140 = arith.ori %gt3A_136, %and3A_139 : vector<16xi1>
    %select_n3A_141 = arith.select %or3A_140, %scan3A_126#9, %select_n3A_134 : vector<16xi1>, vector<16xf32>
    %select_n3A_142 = arith.select %or3A_140, %scan3A_126#10, %select_n3A_135 : vector<16xi1>, vector<16xi32>
    %xor3A = arith.constant 1 : i32
    %xor3A_143 = vector.broadcast %xor3A : i32 to vector<16xi32>
    %xor3A_144 = arith.xori %iota3A, %xor3A_143 : vector<16xi32>
    %lt3A_145 = arith.constant 0 : i32
    %lt3A_146 = vector.broadcast %lt3A_145 : i32 to vector<16xi32>
    %lt3A_147 = arith.cmpi slt, %xor3A_144, %lt3A_146 : vector<16xi32>
    %add3A_148 = arith.constant 16 : i32
    %add3A_149 = vector.broadcast %add3A_148 : i32 to vector<16xi32>
    %add3A_150 = arith.addi %xor3A_144, %add3A_149 : vector<16xi32>
    %select_n3A_151 = arith.select %lt3A_147, %add3A_150, %xor3A_144 : vector<16xi1>, vector<16xi32>
    %broadcast_in_dim3A_152 = vector.shape_cast %select_n3A_151 : vector<16xi32> to vector<16x1xi32>
    %gather3A = vector.shape_cast %broadcast_in_dim3A_152 : vector<16x1xi32> to vector<16xi32>
    %gather3A_153 = tpu.dynamic_gather %select_n3A_141[%gather3A] in [0] : vector<16xf32>, vector<16xi32> -> vector<16xf32>
    %lt3A_154 = arith.constant 0 : i32
    %lt3A_155 = vector.broadcast %lt3A_154 : i32 to vector<16xi32>
    %lt3A_156 = arith.cmpi slt, %xor3A_144, %lt3A_155 : vector<16xi32>
    %add3A_157 = arith.constant 16 : i32
    %add3A_158 = vector.broadcast %add3A_157 : i32 to vector<16xi32>
    %add3A_159 = arith.addi %xor3A_144, %add3A_158 : vector<16xi32>
    %select_n3A_160 = arith.select %lt3A_156, %add3A_159, %xor3A_144 : vector<16xi1>, vector<16xi32>
    %broadcast_in_dim3A_161 = vector.shape_cast %select_n3A_160 : vector<16xi32> to vector<16x1xi32>
    %gather3A_162 = vector.shape_cast %broadcast_in_dim3A_161 : vector<16x1xi32> to vector<16xi32>
    %gather3A_163 = tpu.dynamic_gather %select_n3A_142[%gather3A_162] in [0] : vector<16xi32>, vector<16xi32> -> vector<16xi32>
    %gt3A_164 = arith.cmpf ogt, %gather3A_153, %select_n3A_141 : vector<16xf32>
    %eq3A_165 = arith.cmpf oeq, %gather3A_153, %select_n3A_141 : vector<16xf32>
    %lt3A_166 = arith.cmpi slt, %gather3A_163, %select_n3A_142 : vector<16xi32>
    %and3A_167 = arith.andi %eq3A_165, %lt3A_166 : vector<16xi1>
    %or3A_168 = arith.ori %gt3A_164, %and3A_167 : vector<16xi1>
    %select_n3A_169 = arith.select %or3A_168, %gather3A_153, %select_n3A_141 : vector<16xi1>, vector<16xf32>
    %select_n3A_170 = arith.select %or3A_168, %gather3A_163, %select_n3A_142 : vector<16xi1>, vector<16xi32>
    %xor3A_171 = arith.constant 2 : i32
    %xor3A_172 = vector.broadcast %xor3A_171 : i32 to vector<16xi32>
    %xor3A_173 = arith.xori %iota3A, %xor3A_172 : vector<16xi32>
    %lt3A_174 = arith.constant 0 : i32
    %lt3A_175 = vector.broadcast %lt3A_174 : i32 to vector<16xi32>
    %lt3A_176 = arith.cmpi slt, %xor3A_173, %lt3A_175 : vector<16xi32>
    %add3A_177 = arith.constant 16 : i32
    %add3A_178 = vector.broadcast %add3A_177 : i32 to vector<16xi32>
    %add3A_179 = arith.addi %xor3A_173, %add3A_178 : vector<16xi32>
    %select_n3A_180 = arith.select %lt3A_176, %add3A_179, %xor3A_173 : vector<16xi1>, vector<16xi32>
    %broadcast_in_dim3A_181 = vector.shape_cast %select_n3A_180 : vector<16xi32> to vector<16x1xi32>
    %gather3A_182 = vector.shape_cast %broadcast_in_dim3A_181 : vector<16x1xi32> to vector<16xi32>
    %gather3A_183 = tpu.dynamic_gather %select_n3A_169[%gather3A_182] in [0] : vector<16xf32>, vector<16xi32> -> vector<16xf32>
    %lt3A_184 = arith.constant 0 : i32
    %lt3A_185 = vector.broadcast %lt3A_184 : i32 to vector<16xi32>
    %lt3A_186 = arith.cmpi slt, %xor3A_173, %lt3A_185 : vector<16xi32>
    %add3A_187 = arith.constant 16 : i32
    %add3A_188 = vector.broadcast %add3A_187 : i32 to vector<16xi32>
    %add3A_189 = arith.addi %xor3A_173, %add3A_188 : vector<16xi32>
    %select_n3A_190 = arith.select %lt3A_186, %add3A_189, %xor3A_173 : vector<16xi1>, vector<16xi32>
    %broadcast_in_dim3A_191 = vector.shape_cast %select_n3A_190 : vector<16xi32> to vector<16x1xi32>
    %gather3A_192 = vector.shape_cast %broadcast_in_dim3A_191 : vector<16x1xi32> to vector<16xi32>
    %gather3A_193 = tpu.dynamic_gather %select_n3A_170[%gather3A_192] in [0] : vector<16xi32>, vector<16xi32> -> vector<16xi32>
    %gt3A_194 = arith.cmpf ogt, %gather3A_183, %select_n3A_169 : vector<16xf32>
    %eq3A_195 = arith.cmpf oeq, %gather3A_183, %select_n3A_169 : vector<16xf32>
    %lt3A_196 = arith.cmpi slt, %gather3A_193, %select_n3A_170 : vector<16xi32>
    %and3A_197 = arith.andi %eq3A_195, %lt3A_196 : vector<16xi1>
    %or3A_198 = arith.ori %gt3A_194, %and3A_197 : vector<16xi1>
    %select_n3A_199 = arith.select %or3A_198, %gather3A_183, %select_n3A_169 : vector<16xi1>, vector<16xf32>
    %select_n3A_200 = arith.select %or3A_198, %gather3A_193, %select_n3A_170 : vector<16xi1>, vector<16xi32>
    %xor3A_201 = arith.constant 4 : i32
    %xor3A_202 = vector.broadcast %xor3A_201 : i32 to vector<16xi32>
    %xor3A_203 = arith.xori %iota3A, %xor3A_202 : vector<16xi32>
    %lt3A_204 = arith.constant 0 : i32
    %lt3A_205 = vector.broadcast %lt3A_204 : i32 to vector<16xi32>
    %lt3A_206 = arith.cmpi slt, %xor3A_203, %lt3A_205 : vector<16xi32>
    %add3A_207 = arith.constant 16 : i32
    %add3A_208 = vector.broadcast %add3A_207 : i32 to vector<16xi32>
    %add3A_209 = arith.addi %xor3A_203, %add3A_208 : vector<16xi32>
    %select_n3A_210 = arith.select %lt3A_206, %add3A_209, %xor3A_203 : vector<16xi1>, vector<16xi32>
    %broadcast_in_dim3A_211 = vector.shape_cast %select_n3A_210 : vector<16xi32> to vector<16x1xi32>
    %gather3A_212 = vector.shape_cast %broadcast_in_dim3A_211 : vector<16x1xi32> to vector<16xi32>
    %gather3A_213 = tpu.dynamic_gather %select_n3A_199[%gather3A_212] in [0] : vector<16xf32>, vector<16xi32> -> vector<16xf32>
    %lt3A_214 = arith.constant 0 : i32
    %lt3A_215 = vector.broadcast %lt3A_214 : i32 to vector<16xi32>
    %lt3A_216 = arith.cmpi slt, %xor3A_203, %lt3A_215 : vector<16xi32>
    %add3A_217 = arith.constant 16 : i32
    %add3A_218 = vector.broadcast %add3A_217 : i32 to vector<16xi32>
    %add3A_219 = arith.addi %xor3A_203, %add3A_218 : vector<16xi32>
    %select_n3A_220 = arith.select %lt3A_216, %add3A_219, %xor3A_203 : vector<16xi1>, vector<16xi32>
    %broadcast_in_dim3A_221 = vector.shape_cast %select_n3A_220 : vector<16xi32> to vector<16x1xi32>
    %gather3A_222 = vector.shape_cast %broadcast_in_dim3A_221 : vector<16x1xi32> to vector<16xi32>
    %gather3A_223 = tpu.dynamic_gather %select_n3A_200[%gather3A_222] in [0] : vector<16xi32>, vector<16xi32> -> vector<16xi32>
    %gt3A_224 = arith.cmpf ogt, %gather3A_213, %select_n3A_199 : vector<16xf32>
    %eq3A_225 = arith.cmpf oeq, %gather3A_213, %select_n3A_199 : vector<16xf32>
    %lt3A_226 = arith.cmpi slt, %gather3A_223, %select_n3A_200 : vector<16xi32>
    %and3A_227 = arith.andi %eq3A_225, %lt3A_226 : vector<16xi1>
    %or3A_228 = arith.ori %gt3A_224, %and3A_227 : vector<16xi1>
    %select_n3A_229 = arith.select %or3A_228, %gather3A_213, %select_n3A_199 : vector<16xi1>, vector<16xf32>
    %select_n3A_230 = arith.select %or3A_228, %gather3A_223, %select_n3A_200 : vector<16xi1>, vector<16xi32>
    %xor3A_231 = arith.constant 8 : i32
    %xor3A_232 = vector.broadcast %xor3A_231 : i32 to vector<16xi32>
    %xor3A_233 = arith.xori %iota3A, %xor3A_232 : vector<16xi32>
    %lt3A_234 = arith.constant 0 : i32
    %lt3A_235 = vector.broadcast %lt3A_234 : i32 to vector<16xi32>
    %lt3A_236 = arith.cmpi slt, %xor3A_233, %lt3A_235 : vector<16xi32>
    %add3A_237 = arith.constant 16 : i32
    %add3A_238 = vector.broadcast %add3A_237 : i32 to vector<16xi32>
    %add3A_239 = arith.addi %xor3A_233, %add3A_238 : vector<16xi32>
    %select_n3A_240 = arith.select %lt3A_236, %add3A_239, %xor3A_233 : vector<16xi1>, vector<16xi32>
    %broadcast_in_dim3A_241 = vector.shape_cast %select_n3A_240 : vector<16xi32> to vector<16x1xi32>
    %gather3A_242 = vector.shape_cast %broadcast_in_dim3A_241 : vector<16x1xi32> to vector<16xi32>
    %gather3A_243 = tpu.dynamic_gather %select_n3A_229[%gather3A_242] in [0] : vector<16xf32>, vector<16xi32> -> vector<16xf32>
    %lt3A_244 = arith.constant 0 : i32
    %lt3A_245 = vector.broadcast %lt3A_244 : i32 to vector<16xi32>
    %lt3A_246 = arith.cmpi slt, %xor3A_233, %lt3A_245 : vector<16xi32>
    %add3A_247 = arith.constant 16 : i32
    %add3A_248 = vector.broadcast %add3A_247 : i32 to vector<16xi32>
    %add3A_249 = arith.addi %xor3A_233, %add3A_248 : vector<16xi32>
    %select_n3A_250 = arith.select %lt3A_246, %add3A_249, %xor3A_233 : vector<16xi1>, vector<16xi32>
    %broadcast_in_dim3A_251 = vector.shape_cast %select_n3A_250 : vector<16xi32> to vector<16x1xi32>
    %gather3A_252 = vector.shape_cast %broadcast_in_dim3A_251 : vector<16x1xi32> to vector<16xi32>
    %gather3A_253 = tpu.dynamic_gather %select_n3A_230[%gather3A_252] in [0] : vector<16xi32>, vector<16xi32> -> vector<16xi32>
    %gt3A_254 = arith.cmpf ogt, %gather3A_243, %select_n3A_229 : vector<16xf32>
    %eq3A_255 = arith.cmpf oeq, %gather3A_243, %select_n3A_229 : vector<16xf32>
    %lt3A_256 = arith.cmpi slt, %gather3A_253, %select_n3A_230 : vector<16xi32>
    %and3A_257 = arith.andi %eq3A_255, %lt3A_256 : vector<16xi1>
    %or3A_258 = arith.ori %gt3A_254, %and3A_257 : vector<16xi1>
    %select_n3A_259 = arith.select %or3A_258, %gather3A_243, %select_n3A_229 : vector<16xi1>, vector<16xf32>
    %select_n3A_260 = arith.select %or3A_258, %gather3A_253, %select_n3A_230 : vector<16xi1>, vector<16xi32>
    %eq3A_261 = arith.constant 0 : i32
    %eq3A_262 = vector.broadcast %eq3A_261 : i32 to vector<16xi32>
    %eq3A_263 = arith.cmpi eq, %iota3A, %eq3A_262 : vector<16xi32>
    %select_n3A_264 = arith.select %eq3A_263, %select_n3A_260, %broadcast_in_dim3A_78 : vector<16xi1>, vector<16xi32>
    %dma_wait3A_265 = arith.constant 31 : i32
    %dma_wait3A_266 = arith.constant 1 : i32
    %dma_wait3A_267 = arith.constant 1 : i32
    %dma_wait3A_268 = arith.constant 0 : i32
    %dma_wait3A_269 = tpu.memref_slice %arg4[%dma_wait3A_266, %dma_wait3A_268] : memref<4x8192xf32, #tpu.memory_space<vmem>> -> memref<1x8192xf32, #tpu.memory_space<vmem>>
    %dma_wait3A_270 = tpu.memref_squeeze %dma_wait3A_269 : memref<1x8192xf32, #tpu.memory_space<vmem>> -> memref<8192xf32, #tpu.memory_space<vmem>>
    %dma_wait3A_271 = arith.constant 0 : i32
    %dma_wait3A_272 = tpu.memref_slice %arg2[%add3A_22, %dma_wait3A_265, %dma_wait3A_271] : memref<128x32x8192xf32, #tpu.memory_space<hbm>> -> memref<1x1x8192xf32, #tpu.memory_space<hbm>>
    %dma_wait3A_273 = tpu.memref_squeeze %dma_wait3A_272 : memref<1x1x8192xf32, #tpu.memory_space<hbm>> -> memref<8192xf32, #tpu.memory_space<hbm>>
    %dma_wait3A_274 = tpu.memref_slice %arg9[%dma_wait3A_267] : memref<4x!tpu.dma_semaphore, #tpu.memory_space<semaphore_mem>> -> memref<1x!tpu.dma_semaphore, #tpu.memory_space<semaphore_mem>>
    %dma_wait3A_275 = tpu.memref_squeeze %dma_wait3A_274 : memref<1x!tpu.dma_semaphore, #tpu.memory_space<semaphore_mem>> -> memref<!tpu.dma_semaphore, #tpu.memory_space<semaphore_mem>>
    %dma_wait3A_276 = arith.constant 0 : i32
    %dma_wait3A_277 = tpu.memref_slice %arg4[%dma_wait3A_266, %dma_wait3A_276] : memref<4x8192xf32, #tpu.memory_space<vmem>> -> memref<1x8192xf32, #tpu.memory_space<vmem>>
    %dma_wait3A_278 = tpu.memref_squeeze %dma_wait3A_277 : memref<1x8192xf32, #tpu.memory_space<vmem>> -> memref<8192xf32, #tpu.memory_space<vmem>>
    %dma_wait3A_279 = arith.constant 0 : i32
    %dma_wait3A_280 = tpu.memref_slice %arg2[%add3A_22, %dma_wait3A_265, %dma_wait3A_279] : memref<128x32x8192xf32, #tpu.memory_space<hbm>> -> memref<1x1x8192xf32, #tpu.memory_space<hbm>>
    %dma_wait3A_281 = tpu.memref_squeeze %dma_wait3A_280 : memref<1x1x8192xf32, #tpu.memory_space<hbm>> -> memref<8192xf32, #tpu.memory_space<hbm>>
    tpu.wait_dma2 semaphore(%dma_wait3A_275 : memref<!tpu.dma_semaphore, #tpu.memory_space<semaphore_mem>>) src(%dma_wait3A_281 : memref<8192xf32, #tpu.memory_space<hbm>>) dst(%dma_wait3A_278 : memref<8192xf32, #tpu.memory_space<vmem>>)
    %broadcast_in_dim3A_282 = arith.constant 0xFF800000 : f32
    %broadcast_in_dim3A_283 = vector.broadcast %broadcast_in_dim3A_282 : f32 to vector<16xf32>
    %broadcast_in_dim3A_284 = arith.constant 0 : i32
    %broadcast_in_dim3A_285 = vector.broadcast %broadcast_in_dim3A_284 : i32 to vector<16xi32>
    %add3A_286 = arith.constant 0 : i32
    %add3A_287 = vector.broadcast %add3A_286 : i32 to vector<16xi32>
    %add3A_288 = arith.addi %iota3A, %add3A_287 : vector<16xi32>
    %broadcast_in_dim3A_289 = arith.constant 0xFF800000 : f32
    %broadcast_in_dim3A_290 = vector.broadcast %broadcast_in_dim3A_289 : f32 to vector<16xf32>
    %broadcast_in_dim3A_291 = arith.constant 0 : i32
    %broadcast_in_dim3A_292 = vector.broadcast %broadcast_in_dim3A_291 : i32 to vector<16xi32>
    %add3A_293 = arith.constant 16 : i32
    %add3A_294 = vector.broadcast %add3A_293 : i32 to vector<16xi32>
    %add3A_295 = arith.addi %iota3A, %add3A_294 : vector<16xi32>
    %broadcast_in_dim3A_296 = arith.constant 0xFF800000 : f32
    %broadcast_in_dim3A_297 = vector.broadcast %broadcast_in_dim3A_296 : f32 to vector<16xf32>
    %broadcast_in_dim3A_298 = arith.constant 0 : i32
    %broadcast_in_dim3A_299 = vector.broadcast %broadcast_in_dim3A_298 : i32 to vector<16xi32>
    %add3A_300 = arith.constant 32 : i32
    %add3A_301 = vector.broadcast %add3A_300 : i32 to vector<16xi32>
    %add3A_302 = arith.addi %iota3A, %add3A_301 : vector<16xi32>
    %broadcast_in_dim3A_303 = arith.constant 0xFF800000 : f32
    %broadcast_in_dim3A_304 = vector.broadcast %broadcast_in_dim3A_303 : f32 to vector<16xf32>
    %broadcast_in_dim3A_305 = arith.constant 0 : i32
    %broadcast_in_dim3A_306 = vector.broadcast %broadcast_in_dim3A_305 : i32 to vector<16xi32>
    %add3A_307 = arith.constant 48 : i32
    %add3A_308 = vector.broadcast %add3A_307 : i32 to vector<16xi32>
    %add3A_309 = arith.addi %iota3A, %add3A_308 : vector<16xi32>
    %scan3A_310 = arith.constant 0 : i32
    %scan3A_311 = arith.constant 128 : i32
    %scan3A_312 = arith.addi %scan3A_310, %scan3A_311 : i32
    %scan3A_313 = arith.constant 2 : i32
    %scan3A_314:12 = scf.for %scan3A_941 = %scan3A_310 to %scan3A_312 step %scan3A_313 iter_args(%scan3A_942 = %broadcast_in_dim3A_283, %scan3A_943 = %broadcast_in_dim3A_285, %scan3A_944 = %add3A_288, %scan3A_945 = %broadcast_in_dim3A_290, %scan3A_946 = %broadcast_in_dim3A_292, %scan3A_947 = %add3A_295, %scan3A_948 = %broadcast_in_dim3A_297, %scan3A_949 = %broadcast_in_dim3A_299, %scan3A_950 = %add3A_302, %scan3A_951 = %broadcast_in_dim3A_304, %scan3A_952 = %broadcast_in_dim3A_306, %scan3A_953 = %add3A_309) -> (vector<16xf32>, vector<16xi32>, vector<16xi32>, vector<16xf32>, vector<16xi32>, vector<16xi32>, vector<16xf32>, vector<16xi32>, vector<16xi32>, vector<16xf32>, vector<16xi32>, vector<16xi32>)  : i32 {
      %mul3A_954 = arith.constant 4 : i32
      %mul3A_955 = arith.muli %scan3A_941, %mul3A_954 : i32
      %add3A_956 = arith.constant 0 : i32
      %add3A_957 = arith.addi %mul3A_955, %add3A_956 : i32
      %mul3A_958 = arith.constant 16 : i32
      %mul3A_959 = arith.muli %add3A_957, %mul3A_958 : i32
      %get3A_960 = arith.constant 1 : i32
      %get3A_961 = arith.index_cast %get3A_960 : i32 to index
      %get3A_962 = arith.index_cast %mul3A_959 : i32 to index
      %get3A_963 = tpu.vector_load %arg4[%get3A_961, %get3A_962] {strides = array<i32>} : memref<4x8192xf32, #tpu.memory_space<vmem>>, vector<1x16xf32>,
      %get3A_964 = vector.shape_cast %get3A_963 : vector<1x16xf32> to vector<16xf32>
      %gt3A_965 = arith.cmpf ogt, %get3A_964, %scan3A_942 : vector<16xf32>
      %select_n3A_966 = arith.select %gt3A_965, %get3A_964, %scan3A_942 : vector<16xi1>, vector<16xf32>
      %select_n3A_967 = arith.select %gt3A_965, %scan3A_944, %scan3A_943 : vector<16xi1>, vector<16xi32>
      %add3A_968 = arith.constant 64 : i32
      %add3A_969 = vector.broadcast %add3A_968 : i32 to vector<16xi32>
      %add3A_970 = arith.addi %scan3A_944, %add3A_969 : vector<16xi32>
      %mul3A_971 = arith.constant 4 : i32
      %mul3A_972 = arith.muli %scan3A_941, %mul3A_971 : i32
      %add3A_973 = arith.constant 1 : i32
      %add3A_974 = arith.addi %mul3A_972, %add3A_973 : i32
      %mul3A_975 = arith.constant 16 : i32
      %mul3A_976 = arith.muli %add3A_974, %mul3A_975 : i32
      %get3A_977 = arith.constant 1 : i32
      %get3A_978 = arith.index_cast %get3A_977 : i32 to index
      %get3A_979 = arith.index_cast %mul3A_976 : i32 to index
      %get3A_980 = tpu.vector_load %arg4[%get3A_978, %get3A_979] {strides = array<i32>} : memref<4x8192xf32, #tpu.memory_space<vmem>>, vector<1x16xf32>,
      %get3A_981 = vector.shape_cast %get3A_980 : vector<1x16xf32> to vector<16xf32>
      %gt3A_982 = arith.cmpf ogt, %get3A_981, %scan3A_945 : vector<16xf32>
      %select_n3A_983 = arith.select %gt3A_982, %get3A_981, %scan3A_945 : vector<16xi1>, vector<16xf32>
      %select_n3A_984 = arith.select %gt3A_982, %scan3A_947, %scan3A_946 : vector<16xi1>, vector<16xi32>
      %add3A_985 = arith.constant 64 : i32
      %add3A_986 = vector.broadcast %add3A_985 : i32 to vector<16xi32>
      %add3A_987 = arith.addi %scan3A_947, %add3A_986 : vector<16xi32>
      %mul3A_988 = arith.constant 4 : i32
      %mul3A_989 = arith.muli %scan3A_941, %mul3A_988 : i32
      %add3A_990 = arith.constant 2 : i32
      %add3A_991 = arith.addi %mul3A_989, %add3A_990 : i32
      %mul3A_992 = arith.constant 16 : i32
      %mul3A_993 = arith.muli %add3A_991, %mul3A_992 : i32
      %get3A_994 = arith.constant 1 : i32
      %get3A_995 = arith.index_cast %get3A_994 : i32 to index
      %get3A_996 = arith.index_cast %mul3A_993 : i32 to index
      %get3A_997 = tpu.vector_load %arg4[%get3A_995, %get3A_996] {strides = array<i32>} : memref<4x8192xf32, #tpu.memory_space<vmem>>, vector<1x16xf32>,
      %get3A_998 = vector.shape_cast %get3A_997 : vector<1x16xf32> to vector<16xf32>
      %gt3A_999 = arith.cmpf ogt, %get3A_998, %scan3A_948 : vector<16xf32>
      %select_n3A_1000 = arith.select %gt3A_999, %get3A_998, %scan3A_948 : vector<16xi1>, vector<16xf32>
      %select_n3A_1001 = arith.select %gt3A_999, %scan3A_950, %scan3A_949 : vector<16xi1>, vector<16xi32>
      %add3A_1002 = arith.constant 64 : i32
      %add3A_1003 = vector.broadcast %add3A_1002 : i32 to vector<16xi32>
      %add3A_1004 = arith.addi %scan3A_950, %add3A_1003 : vector<16xi32>
      %mul3A_1005 = arith.constant 4 : i32
      %mul3A_1006 = arith.muli %scan3A_941, %mul3A_1005 : i32
      %add3A_1007 = arith.constant 3 : i32
      %add3A_1008 = arith.addi %mul3A_1006, %add3A_1007 : i32
      %mul3A_1009 = arith.constant 16 : i32
      %mul3A_1010 = arith.muli %add3A_1008, %mul3A_1009 : i32
      %get3A_1011 = arith.constant 1 : i32
      %get3A_1012 = arith.index_cast %get3A_1011 : i32 to index
      %get3A_1013 = arith.index_cast %mul3A_1010 : i32 to index
      %get3A_1014 = tpu.vector_load %arg4[%get3A_1012, %get3A_1013] {strides = array<i32>} : memref<4x8192xf32, #tpu.memory_space<vmem>>, vector<1x16xf32>,
      %get3A_1015 = vector.shape_cast %get3A_1014 : vector<1x16xf32> to vector<16xf32>
      %gt3A_1016 = arith.cmpf ogt, %get3A_1015, %scan3A_951 : vector<16xf32>
      %select_n3A_1017 = arith.select %gt3A_1016, %get3A_1015, %scan3A_951 : vector<16xi1>, vector<16xf32>
      %select_n3A_1018 = arith.select %gt3A_1016, %scan3A_953, %scan3A_952 : vector<16xi1>, vector<16xi32>
      %add3A_1019 = arith.constant 64 : i32
      %add3A_1020 = vector.broadcast %add3A_1019 : i32 to vector<16xi32>
      %add3A_1021 = arith.addi %scan3A_953, %add3A_1020 : vector<16xi32>
      %scan3A_1022 = arith.constant 1 : i32
      %scan3A_1023 = arith.addi %scan3A_941, %scan3A_1022 : i32
      %mul3A_1024 = arith.constant 4 : i32
      %mul3A_1025 = arith.muli %scan3A_1023, %mul3A_1024 : i32
      %add3A_1026 = arith.constant 0 : i32
      %add3A_1027 = arith.addi %mul3A_1025, %add3A_1026 : i32
      %mul3A_1028 = arith.constant 16 : i32
      %mul3A_1029 = arith.muli %add3A_1027, %mul3A_1028 : i32
      %get3A_1030 = arith.constant 1 : i32
      %get3A_1031 = arith.index_cast %get3A_1030 : i32 to index
      %get3A_1032 = arith.index_cast %mul3A_1029 : i32 to index
      %get3A_1033 = tpu.vector_load %arg4[%get3A_1031, %get3A_1032] {strides = array<i32>} : memref<4x8192xf32, #tpu.memory_space<vmem>>, vector<1x16xf32>,
      %get3A_1034 = vector.shape_cast %get3A_1033 : vector<1x16xf32> to vector<16xf32>
      %gt3A_1035 = arith.cmpf ogt, %get3A_1034, %select_n3A_966 : vector<16xf32>
      %select_n3A_1036 = arith.select %gt3A_1035, %get3A_1034, %select_n3A_966 : vector<16xi1>, vector<16xf32>
      %select_n3A_1037 = arith.select %gt3A_1035, %add3A_970, %select_n3A_967 : vector<16xi1>, vector<16xi32>
      %add3A_1038 = arith.constant 64 : i32
      %add3A_1039 = vector.broadcast %add3A_1038 : i32 to vector<16xi32>
      %add3A_1040 = arith.addi %add3A_970, %add3A_1039 : vector<16xi32>
      %mul3A_1041 = arith.constant 4 : i32
      %mul3A_1042 = arith.muli %scan3A_1023, %mul3A_1041 : i32
      %add3A_1043 = arith.constant 1 : i32
      %add3A_1044 = arith.addi %mul3A_1042, %add3A_1043 : i32
      %mul3A_1045 = arith.constant 16 : i32
      %mul3A_1046 = arith.muli %add3A_1044, %mul3A_1045 : i32
      %get3A_1047 = arith.constant 1 : i32
      %get3A_1048 = arith.index_cast %get3A_1047 : i32 to index
      %get3A_1049 = arith.index_cast %mul3A_1046 : i32 to index
      %get3A_1050 = tpu.vector_load %arg4[%get3A_1048, %get3A_1049] {strides = array<i32>} : memref<4x8192xf32, #tpu.memory_space<vmem>>, vector<1x16xf32>,
      %get3A_1051 = vector.shape_cast %get3A_1050 : vector<1x16xf32> to vector<16xf32>
      %gt3A_1052 = arith.cmpf ogt, %get3A_1051, %select_n3A_983 : vector<16xf32>
      %select_n3A_1053 = arith.select %gt3A_1052, %get3A_1051, %select_n3A_983 : vector<16xi1>, vector<16xf32>
      %select_n3A_1054 = arith.select %gt3A_1052, %add3A_987, %select_n3A_984 : vector<16xi1>, vector<16xi32>
      %add3A_1055 = arith.constant 64 : i32
      %add3A_1056 = vector.broadcast %add3A_1055 : i32 to vector<16xi32>
      %add3A_1057 = arith.addi %add3A_987, %add3A_1056 : vector<16xi32>
      %mul3A_1058 = arith.constant 4 : i32
      %mul3A_1059 = arith.muli %scan3A_1023, %mul3A_1058 : i32
      %add3A_1060 = arith.constant 2 : i32
      %add3A_1061 = arith.addi %mul3A_1059, %add3A_1060 : i32
      %mul3A_1062 = arith.constant 16 : i32
      %mul3A_1063 = arith.muli %add3A_1061, %mul3A_1062 : i32
      %get3A_1064 = arith.constant 1 : i32
      %get3A_1065 = arith.index_cast %get3A_1064 : i32 to index
      %get3A_1066 = arith.index_cast %mul3A_1063 : i32 to index
      %get3A_1067 = tpu.vector_load %arg4[%get3A_1065, %get3A_1066] {strides = array<i32>} : memref<4x8192xf32, #tpu.memory_space<vmem>>, vector<1x16xf32>,
      %get3A_1068 = vector.shape_cast %get3A_1067 : vector<1x16xf32> to vector<16xf32>
      %gt3A_1069 = arith.cmpf ogt, %get3A_1068, %select_n3A_1000 : vector<16xf32>
      %select_n3A_1070 = arith.select %gt3A_1069, %get3A_1068, %select_n3A_1000 : vector<16xi1>, vector<16xf32>
      %select_n3A_1071 = arith.select %gt3A_1069, %add3A_1004, %select_n3A_1001 : vector<16xi1>, vector<16xi32>
      %add3A_1072 = arith.constant 64 : i32
      %add3A_1073 = vector.broadcast %add3A_1072 : i32 to vector<16xi32>
      %add3A_1074 = arith.addi %add3A_1004, %add3A_1073 : vector<16xi32>
      %mul3A_1075 = arith.constant 4 : i32
      %mul3A_1076 = arith.muli %scan3A_1023, %mul3A_1075 : i32
      %add3A_1077 = arith.constant 3 : i32
      %add3A_1078 = arith.addi %mul3A_1076, %add3A_1077 : i32
      %mul3A_1079 = arith.constant 16 : i32
      %mul3A_1080 = arith.muli %add3A_1078, %mul3A_1079 : i32
      %get3A_1081 = arith.constant 1 : i32
      %get3A_1082 = arith.index_cast %get3A_1081 : i32 to index
      %get3A_1083 = arith.index_cast %mul3A_1080 : i32 to index
      %get3A_1084 = tpu.vector_load %arg4[%get3A_1082, %get3A_1083] {strides = array<i32>} : memref<4x8192xf32, #tpu.memory_space<vmem>>, vector<1x16xf32>,
      %get3A_1085 = vector.shape_cast %get3A_1084 : vector<1x16xf32> to vector<16xf32>
      %gt3A_1086 = arith.cmpf ogt, %get3A_1085, %select_n3A_1017 : vector<16xf32>
      %select_n3A_1087 = arith.select %gt3A_1086, %get3A_1085, %select_n3A_1017 : vector<16xi1>, vector<16xf32>
      %select_n3A_1088 = arith.select %gt3A_1086, %add3A_1021, %select_n3A_1018 : vector<16xi1>, vector<16xi32>
      %add3A_1089 = arith.constant 64 : i32
      %add3A_1090 = vector.broadcast %add3A_1089 : i32 to vector<16xi32>
      %add3A_1091 = arith.addi %add3A_1021, %add3A_1090 : vector<16xi32>
      scf.yield %select_n3A_1036, %select_n3A_1037, %add3A_1040, %select_n3A_1053, %select_n3A_1054, %add3A_1057, %select_n3A_1070, %select_n3A_1071, %add3A_1074, %select_n3A_1087, %select_n3A_1088, %add3A_1091 : vector<16xf32>, vector<16xi32>, vector<16xi32>, vector<16xf32>, vector<16xi32>, vector<16xi32>, vector<16xf32>, vector<16xi32>, vector<16xi32>, vector<16xf32>, vector<16xi32>, vector<16xi32>
    }
    %scan3A_315 = arith.constant 128 : i32
    %gt3A_316 = arith.cmpf ogt, %scan3A_314#3, %scan3A_314#0 : vector<16xf32>
    %eq3A_317 = arith.cmpf oeq, %scan3A_314#3, %scan3A_314#0 : vector<16xf32>
    %lt3A_318 = arith.cmpi slt, %scan3A_314#4, %scan3A_314#1 : vector<16xi32>
    %and3A_319 = arith.andi %eq3A_317, %lt3A_318 : vector<16xi1>
    %or3A_320 = arith.ori %gt3A_316, %and3A_319 : vector<16xi1>
    %select_n3A_321 = arith.select %or3A_320, %scan3A_314#3, %scan3A_314#0 : vector<16xi1>, vector<16xf32>
    %select_n3A_322 = arith.select %or3A_320, %scan3A_314#4, %scan3A_314#1 : vector<16xi1>, vector<16xi32>
    %gt3A_323 = arith.cmpf ogt, %scan3A_314#6, %select_n3A_321 : vector<16xf32>
    %eq3A_324 = arith.cmpf oeq, %scan3A_314#6, %select_n3A_321 : vector<16xf32>
    %lt3A_325 = arith.cmpi slt, %scan3A_314#7, %select_n3A_322 : vector<16xi32>
    %and3A_326 = arith.andi %eq3A_324, %lt3A_325 : vector<16xi1>
    %or3A_327 = arith.ori %gt3A_323, %and3A_326 : vector<16xi1>
    %select_n3A_328 = arith.select %or3A_327, %scan3A_314#6, %select_n3A_321 : vector<16xi1>, vector<16xf32>
    %select_n3A_329 = arith.select %or3A_327, %scan3A_314#7, %select_n3A_322 : vector<16xi1>, vector<16xi32>
    %gt3A_330 = arith.cmpf ogt, %scan3A_314#9, %select_n3A_328 : vector<16xf32>
    %eq3A_331 = arith.cmpf oeq, %scan3A_314#9, %select_n3A_328 : vector<16xf32>
    %lt3A_332 = arith.cmpi slt, %scan3A_314#10, %select_n3A_329 : vector<16xi32>
    %and3A_333 = arith.andi %eq3A_331, %lt3A_332 : vector<16xi1>
    %or3A_334 = arith.ori %gt3A_330, %and3A_333 : vector<16xi1>
    %select_n3A_335 = arith.select %or3A_334, %scan3A_314#9, %select_n3A_328 : vector<16xi1>, vector<16xf32>
    %select_n3A_336 = arith.select %or3A_334, %scan3A_314#10, %select_n3A_329 : vector<16xi1>, vector<16xi32>
    %xor3A_337 = arith.constant 1 : i32
    %xor3A_338 = vector.broadcast %xor3A_337 : i32 to vector<16xi32>
    %xor3A_339 = arith.xori %iota3A, %xor3A_338 : vector<16xi32>
    %lt3A_340 = arith.constant 0 : i32
    %lt3A_341 = vector.broadcast %lt3A_340 : i32 to vector<16xi32>
    %lt3A_342 = arith.cmpi slt, %xor3A_339, %lt3A_341 : vector<16xi32>
    %add3A_343 = arith.constant 16 : i32
    %add3A_344 = vector.broadcast %add3A_343 : i32 to vector<16xi32>
    %add3A_345 = arith.addi %xor3A_339, %add3A_344 : vector<16xi32>
    %select_n3A_346 = arith.select %lt3A_342, %add3A_345, %xor3A_339 : vector<16xi1>, vector<16xi32>
    %broadcast_in_dim3A_347 = vector.shape_cast %select_n3A_346 : vector<16xi32> to vector<16x1xi32>
    %gather3A_348 = vector.shape_cast %broadcast_in_dim3A_347 : vector<16x1xi32> to vector<16xi32>
    %gather3A_349 = tpu.dynamic_gather %select_n3A_335[%gather3A_348] in [0] : vector<16xf32>, vector<16xi32> -> vector<16xf32>
    %lt3A_350 = arith.constant 0 : i32
    %lt3A_351 = vector.broadcast %lt3A_350 : i32 to vector<16xi32>
    %lt3A_352 = arith.cmpi slt, %xor3A_339, %lt3A_351 : vector<16xi32>
    %add3A_353 = arith.constant 16 : i32
    %add3A_354 = vector.broadcast %add3A_353 : i32 to vector<16xi32>
    %add3A_355 = arith.addi %xor3A_339, %add3A_354 : vector<16xi32>
    %select_n3A_356 = arith.select %lt3A_352, %add3A_355, %xor3A_339 : vector<16xi1>, vector<16xi32>
    %broadcast_in_dim3A_357 = vector.shape_cast %select_n3A_356 : vector<16xi32> to vector<16x1xi32>
    %gather3A_358 = vector.shape_cast %broadcast_in_dim3A_357 : vector<16x1xi32> to vector<16xi32>
    %gather3A_359 = tpu.dynamic_gather %select_n3A_336[%gather3A_358] in [0] : vector<16xi32>, vector<16xi32> -> vector<16xi32>
    %gt3A_360 = arith.cmpf ogt, %gather3A_349, %select_n3A_335 : vector<16xf32>
    %eq3A_361 = arith.cmpf oeq, %gather3A_349, %select_n3A_335 : vector<16xf32>
    %lt3A_362 = arith.cmpi slt, %gather3A_359, %select_n3A_336 : vector<16xi32>
    %and3A_363 = arith.andi %eq3A_361, %lt3A_362 : vector<16xi1>
    %or3A_364 = arith.ori %gt3A_360, %and3A_363 : vector<16xi1>
    %select_n3A_365 = arith.select %or3A_364, %gather3A_349, %select_n3A_335 : vector<16xi1>, vector<16xf32>
    %select_n3A_366 = arith.select %or3A_364, %gather3A_359, %select_n3A_336 : vector<16xi1>, vector<16xi32>
    %xor3A_367 = arith.constant 2 : i32
    %xor3A_368 = vector.broadcast %xor3A_367 : i32 to vector<16xi32>
    %xor3A_369 = arith.xori %iota3A, %xor3A_368 : vector<16xi32>
    %lt3A_370 = arith.constant 0 : i32
    %lt3A_371 = vector.broadcast %lt3A_370 : i32 to vector<16xi32>
    %lt3A_372 = arith.cmpi slt, %xor3A_369, %lt3A_371 : vector<16xi32>
    %add3A_373 = arith.constant 16 : i32
    %add3A_374 = vector.broadcast %add3A_373 : i32 to vector<16xi32>
    %add3A_375 = arith.addi %xor3A_369, %add3A_374 : vector<16xi32>
    %select_n3A_376 = arith.select %lt3A_372, %add3A_375, %xor3A_369 : vector<16xi1>, vector<16xi32>
    %broadcast_in_dim3A_377 = vector.shape_cast %select_n3A_376 : vector<16xi32> to vector<16x1xi32>
    %gather3A_378 = vector.shape_cast %broadcast_in_dim3A_377 : vector<16x1xi32> to vector<16xi32>
    %gather3A_379 = tpu.dynamic_gather %select_n3A_365[%gather3A_378] in [0] : vector<16xf32>, vector<16xi32> -> vector<16xf32>
    %lt3A_380 = arith.constant 0 : i32
    %lt3A_381 = vector.broadcast %lt3A_380 : i32 to vector<16xi32>
    %lt3A_382 = arith.cmpi slt, %xor3A_369, %lt3A_381 : vector<16xi32>
    %add3A_383 = arith.constant 16 : i32
    %add3A_384 = vector.broadcast %add3A_383 : i32 to vector<16xi32>
    %add3A_385 = arith.addi %xor3A_369, %add3A_384 : vector<16xi32>
    %select_n3A_386 = arith.select %lt3A_382, %add3A_385, %xor3A_369 : vector<16xi1>, vector<16xi32>
    %broadcast_in_dim3A_387 = vector.shape_cast %select_n3A_386 : vector<16xi32> to vector<16x1xi32>
    %gather3A_388 = vector.shape_cast %broadcast_in_dim3A_387 : vector<16x1xi32> to vector<16xi32>
    %gather3A_389 = tpu.dynamic_gather %select_n3A_366[%gather3A_388] in [0] : vector<16xi32>, vector<16xi32> -> vector<16xi32>
    %gt3A_390 = arith.cmpf ogt, %gather3A_379, %select_n3A_365 : vector<16xf32>
    %eq3A_391 = arith.cmpf oeq, %gather3A_379, %select_n3A_365 : vector<16xf32>
    %lt3A_392 = arith.cmpi slt, %gather3A_389, %select_n3A_366 : vector<16xi32>
    %and3A_393 = arith.andi %eq3A_391, %lt3A_392 : vector<16xi1>
    %or3A_394 = arith.ori %gt3A_390, %and3A_393 : vector<16xi1>
    %select_n3A_395 = arith.select %or3A_394, %gather3A_379, %select_n3A_365 : vector<16xi1>, vector<16xf32>
    %select_n3A_396 = arith.select %or3A_394, %gather3A_389, %select_n3A_366 : vector<16xi1>, vector<16xi32>
    %xor3A_397 = arith.constant 4 : i32
    %xor3A_398 = vector.broadcast %xor3A_397 : i32 to vector<16xi32>
    %xor3A_399 = arith.xori %iota3A, %xor3A_398 : vector<16xi32>
    %lt3A_400 = arith.constant 0 : i32
    %lt3A_401 = vector.broadcast %lt3A_400 : i32 to vector<16xi32>
    %lt3A_402 = arith.cmpi slt, %xor3A_399, %lt3A_401 : vector<16xi32>
    %add3A_403 = arith.constant 16 : i32
    %add3A_404 = vector.broadcast %add3A_403 : i32 to vector<16xi32>
    %add3A_405 = arith.addi %xor3A_399, %add3A_404 : vector<16xi32>
    %select_n3A_406 = arith.select %lt3A_402, %add3A_405, %xor3A_399 : vector<16xi1>, vector<16xi32>
    %broadcast_in_dim3A_407 = vector.shape_cast %select_n3A_406 : vector<16xi32> to vector<16x1xi32>
    %gather3A_408 = vector.shape_cast %broadcast_in_dim3A_407 : vector<16x1xi32> to vector<16xi32>
    %gather3A_409 = tpu.dynamic_gather %select_n3A_395[%gather3A_408] in [0] : vector<16xf32>, vector<16xi32> -> vector<16xf32>
    %lt3A_410 = arith.constant 0 : i32
    %lt3A_411 = vector.broadcast %lt3A_410 : i32 to vector<16xi32>
    %lt3A_412 = arith.cmpi slt, %xor3A_399, %lt3A_411 : vector<16xi32>
    %add3A_413 = arith.constant 16 : i32
    %add3A_414 = vector.broadcast %add3A_413 : i32 to vector<16xi32>
    %add3A_415 = arith.addi %xor3A_399, %add3A_414 : vector<16xi32>
    %select_n3A_416 = arith.select %lt3A_412, %add3A_415, %xor3A_399 : vector<16xi1>, vector<16xi32>
    %broadcast_in_dim3A_417 = vector.shape_cast %select_n3A_416 : vector<16xi32> to vector<16x1xi32>
    %gather3A_418 = vector.shape_cast %broadcast_in_dim3A_417 : vector<16x1xi32> to vector<16xi32>
    %gather3A_419 = tpu.dynamic_gather %select_n3A_396[%gather3A_418] in [0] : vector<16xi32>, vector<16xi32> -> vector<16xi32>
    %gt3A_420 = arith.cmpf ogt, %gather3A_409, %select_n3A_395 : vector<16xf32>
    %eq3A_421 = arith.cmpf oeq, %gather3A_409, %select_n3A_395 : vector<16xf32>
    %lt3A_422 = arith.cmpi slt, %gather3A_419, %select_n3A_396 : vector<16xi32>
    %and3A_423 = arith.andi %eq3A_421, %lt3A_422 : vector<16xi1>
    %or3A_424 = arith.ori %gt3A_420, %and3A_423 : vector<16xi1>
    %select_n3A_425 = arith.select %or3A_424, %gather3A_409, %select_n3A_395 : vector<16xi1>, vector<16xf32>
    %select_n3A_426 = arith.select %or3A_424, %gather3A_419, %select_n3A_396 : vector<16xi1>, vector<16xi32>
    %xor3A_427 = arith.constant 8 : i32
    %xor3A_428 = vector.broadcast %xor3A_427 : i32 to vector<16xi32>
    %xor3A_429 = arith.xori %iota3A, %xor3A_428 : vector<16xi32>
    %lt3A_430 = arith.constant 0 : i32
    %lt3A_431 = vector.broadcast %lt3A_430 : i32 to vector<16xi32>
    %lt3A_432 = arith.cmpi slt, %xor3A_429, %lt3A_431 : vector<16xi32>
    %add3A_433 = arith.constant 16 : i32
    %add3A_434 = vector.broadcast %add3A_433 : i32 to vector<16xi32>
    %add3A_435 = arith.addi %xor3A_429, %add3A_434 : vector<16xi32>
    %select_n3A_436 = arith.select %lt3A_432, %add3A_435, %xor3A_429 : vector<16xi1>, vector<16xi32>
    %broadcast_in_dim3A_437 = vector.shape_cast %select_n3A_436 : vector<16xi32> to vector<16x1xi32>
    %gather3A_438 = vector.shape_cast %broadcast_in_dim3A_437 : vector<16x1xi32> to vector<16xi32>
    %gather3A_439 = tpu.dynamic_gather %select_n3A_425[%gather3A_438] in [0] : vector<16xf32>, vector<16xi32> -> vector<16xf32>
    %lt3A_440 = arith.constant 0 : i32
    %lt3A_441 = vector.broadcast %lt3A_440 : i32 to vector<16xi32>
    %lt3A_442 = arith.cmpi slt, %xor3A_429, %lt3A_441 : vector<16xi32>
    %add3A_443 = arith.constant 16 : i32
    %add3A_444 = vector.broadcast %add3A_443 : i32 to vector<16xi32>
    %add3A_445 = arith.addi %xor3A_429, %add3A_444 : vector<16xi32>
    %select_n3A_446 = arith.select %lt3A_442, %add3A_445, %xor3A_429 : vector<16xi1>, vector<16xi32>
    %broadcast_in_dim3A_447 = vector.shape_cast %select_n3A_446 : vector<16xi32> to vector<16x1xi32>
    %gather3A_448 = vector.shape_cast %broadcast_in_dim3A_447 : vector<16x1xi32> to vector<16xi32>
    %gather3A_449 = tpu.dynamic_gather %select_n3A_426[%gather3A_448] in [0] : vector<16xi32>, vector<16xi32> -> vector<16xi32>
    %gt3A_450 = arith.cmpf ogt, %gather3A_439, %select_n3A_425 : vector<16xf32>
    %eq3A_451 = arith.cmpf oeq, %gather3A_439, %select_n3A_425 : vector<16xf32>
    %lt3A_452 = arith.cmpi slt, %gather3A_449, %select_n3A_426 : vector<16xi32>
    %and3A_453 = arith.andi %eq3A_451, %lt3A_452 : vector<16xi1>
    %or3A_454 = arith.ori %gt3A_450, %and3A_453 : vector<16xi1>
    %select_n3A_455 = arith.select %or3A_454, %gather3A_439, %select_n3A_425 : vector<16xi1>, vector<16xf32>
    %select_n3A_456 = arith.select %or3A_454, %gather3A_449, %select_n3A_426 : vector<16xi1>, vector<16xi32>
    %eq3A_457 = arith.constant 1 : i32
    %eq3A_458 = vector.broadcast %eq3A_457 : i32 to vector<16xi32>
    %eq3A_459 = arith.cmpi eq, %iota3A, %eq3A_458 : vector<16xi32>
    %select_n3A_460 = arith.select %eq3A_459, %select_n3A_456, %select_n3A_264 : vector<16xi1>, vector<16xi32>
    %dma_wait3A_461 = arith.constant 31 : i32
    %dma_wait3A_462 = arith.constant 2 : i32
    %dma_wait3A_463 = arith.constant 2 : i32
    %dma_wait3A_464 = arith.constant 0 : i32
    %dma_wait3A_465 = tpu.memref_slice %arg4[%dma_wait3A_462, %dma_wait3A_464] : memref<4x8192xf32, #tpu.memory_space<vmem>> -> memref<1x8192xf32, #tpu.memory_space<vmem>>
    %dma_wait3A_466 = tpu.memref_squeeze %dma_wait3A_465 : memref<1x8192xf32, #tpu.memory_space<vmem>> -> memref<8192xf32, #tpu.memory_space<vmem>>
    %dma_wait3A_467 = arith.constant 0 : i32
    %dma_wait3A_468 = tpu.memref_slice %arg2[%add3A_41, %dma_wait3A_461, %dma_wait3A_467] : memref<128x32x8192xf32, #tpu.memory_space<hbm>> -> memref<1x1x8192xf32, #tpu.memory_space<hbm>>
    %dma_wait3A_469 = tpu.memref_squeeze %dma_wait3A_468 : memref<1x1x8192xf32, #tpu.memory_space<hbm>> -> memref<8192xf32, #tpu.memory_space<hbm>>
    %dma_wait3A_470 = tpu.memref_slice %arg9[%dma_wait3A_463] : memref<4x!tpu.dma_semaphore, #tpu.memory_space<semaphore_mem>> -> memref<1x!tpu.dma_semaphore, #tpu.memory_space<semaphore_mem>>
    %dma_wait3A_471 = tpu.memref_squeeze %dma_wait3A_470 : memref<1x!tpu.dma_semaphore, #tpu.memory_space<semaphore_mem>> -> memref<!tpu.dma_semaphore, #tpu.memory_space<semaphore_mem>>
    %dma_wait3A_472 = arith.constant 0 : i32
    %dma_wait3A_473 = tpu.memref_slice %arg4[%dma_wait3A_462, %dma_wait3A_472] : memref<4x8192xf32, #tpu.memory_space<vmem>> -> memref<1x8192xf32, #tpu.memory_space<vmem>>
    %dma_wait3A_474 = tpu.memref_squeeze %dma_wait3A_473 : memref<1x8192xf32, #tpu.memory_space<vmem>> -> memref<8192xf32, #tpu.memory_space<vmem>>
    %dma_wait3A_475 = arith.constant 0 : i32
    %dma_wait3A_476 = tpu.memref_slice %arg2[%add3A_41, %dma_wait3A_461, %dma_wait3A_475] : memref<128x32x8192xf32, #tpu.memory_space<hbm>> -> memref<1x1x8192xf32, #tpu.memory_space<hbm>>
    %dma_wait3A_477 = tpu.memref_squeeze %dma_wait3A_476 : memref<1x1x8192xf32, #tpu.memory_space<hbm>> -> memref<8192xf32, #tpu.memory_space<hbm>>
    tpu.wait_dma2 semaphore(%dma_wait3A_471 : memref<!tpu.dma_semaphore, #tpu.memory_space<semaphore_mem>>) src(%dma_wait3A_477 : memref<8192xf32, #tpu.memory_space<hbm>>) dst(%dma_wait3A_474 : memref<8192xf32, #tpu.memory_space<vmem>>)
    %broadcast_in_dim3A_478 = arith.constant 0xFF800000 : f32
    %broadcast_in_dim3A_479 = vector.broadcast %broadcast_in_dim3A_478 : f32 to vector<16xf32>
    %broadcast_in_dim3A_480 = arith.constant 0 : i32
    %broadcast_in_dim3A_481 = vector.broadcast %broadcast_in_dim3A_480 : i32 to vector<16xi32>
    %add3A_482 = arith.constant 0 : i32
    %add3A_483 = vector.broadcast %add3A_482 : i32 to vector<16xi32>
    %add3A_484 = arith.addi %iota3A, %add3A_483 : vector<16xi32>
    %broadcast_in_dim3A_485 = arith.constant 0xFF800000 : f32
    %broadcast_in_dim3A_486 = vector.broadcast %broadcast_in_dim3A_485 : f32 to vector<16xf32>
    %broadcast_in_dim3A_487 = arith.constant 0 : i32
    %broadcast_in_dim3A_488 = vector.broadcast %broadcast_in_dim3A_487 : i32 to vector<16xi32>
    %add3A_489 = arith.constant 16 : i32
    %add3A_490 = vector.broadcast %add3A_489 : i32 to vector<16xi32>
    %add3A_491 = arith.addi %iota3A, %add3A_490 : vector<16xi32>
    %broadcast_in_dim3A_492 = arith.constant 0xFF800000 : f32
    %broadcast_in_dim3A_493 = vector.broadcast %broadcast_in_dim3A_492 : f32 to vector<16xf32>
    %broadcast_in_dim3A_494 = arith.constant 0 : i32
    %broadcast_in_dim3A_495 = vector.broadcast %broadcast_in_dim3A_494 : i32 to vector<16xi32>
    %add3A_496 = arith.constant 32 : i32
    %add3A_497 = vector.broadcast %add3A_496 : i32 to vector<16xi32>
    %add3A_498 = arith.addi %iota3A, %add3A_497 : vector<16xi32>
    %broadcast_in_dim3A_499 = arith.constant 0xFF800000 : f32
    %broadcast_in_dim3A_500 = vector.broadcast %broadcast_in_dim3A_499 : f32 to vector<16xf32>
    %broadcast_in_dim3A_501 = arith.constant 0 : i32
    %broadcast_in_dim3A_502 = vector.broadcast %broadcast_in_dim3A_501 : i32 to vector<16xi32>
    %add3A_503 = arith.constant 48 : i32
    %add3A_504 = vector.broadcast %add3A_503 : i32 to vector<16xi32>
    %add3A_505 = arith.addi %iota3A, %add3A_504 : vector<16xi32>
    %scan3A_506 = arith.constant 0 : i32
    %scan3A_507 = arith.constant 128 : i32
    %scan3A_508 = arith.addi %scan3A_506, %scan3A_507 : i32
    %scan3A_509 = arith.constant 2 : i32
    %scan3A_510:12 = scf.for %scan3A_941 = %scan3A_506 to %scan3A_508 step %scan3A_509 iter_args(%scan3A_942 = %broadcast_in_dim3A_479, %scan3A_943 = %broadcast_in_dim3A_481, %scan3A_944 = %add3A_484, %scan3A_945 = %broadcast_in_dim3A_486, %scan3A_946 = %broadcast_in_dim3A_488, %scan3A_947 = %add3A_491, %scan3A_948 = %broadcast_in_dim3A_493, %scan3A_949 = %broadcast_in_dim3A_495, %scan3A_950 = %add3A_498, %scan3A_951 = %broadcast_in_dim3A_500, %scan3A_952 = %broadcast_in_dim3A_502, %scan3A_953 = %add3A_505) -> (vector<16xf32>, vector<16xi32>, vector<16xi32>, vector<16xf32>, vector<16xi32>, vector<16xi32>, vector<16xf32>, vector<16xi32>, vector<16xi32>, vector<16xf32>, vector<16xi32>, vector<16xi32>)  : i32 {
      %mul3A_954 = arith.constant 4 : i32
      %mul3A_955 = arith.muli %scan3A_941, %mul3A_954 : i32
      %add3A_956 = arith.constant 0 : i32
      %add3A_957 = arith.addi %mul3A_955, %add3A_956 : i32
      %mul3A_958 = arith.constant 16 : i32
      %mul3A_959 = arith.muli %add3A_957, %mul3A_958 : i32
      %get3A_960 = arith.constant 2 : i32
      %get3A_961 = arith.index_cast %get3A_960 : i32 to index
      %get3A_962 = arith.index_cast %mul3A_959 : i32 to index
      %get3A_963 = tpu.vector_load %arg4[%get3A_961, %get3A_962] {strides = array<i32>} : memref<4x8192xf32, #tpu.memory_space<vmem>>, vector<1x16xf32>,
      %get3A_964 = vector.shape_cast %get3A_963 : vector<1x16xf32> to vector<16xf32>
      %gt3A_965 = arith.cmpf ogt, %get3A_964, %scan3A_942 : vector<16xf32>
      %select_n3A_966 = arith.select %gt3A_965, %get3A_964, %scan3A_942 : vector<16xi1>, vector<16xf32>
      %select_n3A_967 = arith.select %gt3A_965, %scan3A_944, %scan3A_943 : vector<16xi1>, vector<16xi32>
      %add3A_968 = arith.constant 64 : i32
      %add3A_969 = vector.broadcast %add3A_968 : i32 to vector<16xi32>
      %add3A_970 = arith.addi %scan3A_944, %add3A_969 : vector<16xi32>
      %mul3A_971 = arith.constant 4 : i32
      %mul3A_972 = arith.muli %scan3A_941, %mul3A_971 : i32
      %add3A_973 = arith.constant 1 : i32
      %add3A_974 = arith.addi %mul3A_972, %add3A_973 : i32
      %mul3A_975 = arith.constant 16 : i32
      %mul3A_976 = arith.muli %add3A_974, %mul3A_975 : i32
      %get3A_977 = arith.constant 2 : i32
      %get3A_978 = arith.index_cast %get3A_977 : i32 to index
      %get3A_979 = arith.index_cast %mul3A_976 : i32 to index
      %get3A_980 = tpu.vector_load %arg4[%get3A_978, %get3A_979] {strides = array<i32>} : memref<4x8192xf32, #tpu.memory_space<vmem>>, vector<1x16xf32>,
      %get3A_981 = vector.shape_cast %get3A_980 : vector<1x16xf32> to vector<16xf32>
      %gt3A_982 = arith.cmpf ogt, %get3A_981, %scan3A_945 : vector<16xf32>
      %select_n3A_983 = arith.select %gt3A_982, %get3A_981, %scan3A_945 : vector<16xi1>, vector<16xf32>
      %select_n3A_984 = arith.select %gt3A_982, %scan3A_947, %scan3A_946 : vector<16xi1>, vector<16xi32>
      %add3A_985 = arith.constant 64 : i32
      %add3A_986 = vector.broadcast %add3A_985 : i32 to vector<16xi32>
      %add3A_987 = arith.addi %scan3A_947, %add3A_986 : vector<16xi32>
      %mul3A_988 = arith.constant 4 : i32
      %mul3A_989 = arith.muli %scan3A_941, %mul3A_988 : i32
      %add3A_990 = arith.constant 2 : i32
      %add3A_991 = arith.addi %mul3A_989, %add3A_990 : i32
      %mul3A_992 = arith.constant 16 : i32
      %mul3A_993 = arith.muli %add3A_991, %mul3A_992 : i32
      %get3A_994 = arith.constant 2 : i32
      %get3A_995 = arith.index_cast %get3A_994 : i32 to index
      %get3A_996 = arith.index_cast %mul3A_993 : i32 to index
      %get3A_997 = tpu.vector_load %arg4[%get3A_995, %get3A_996] {strides = array<i32>} : memref<4x8192xf32, #tpu.memory_space<vmem>>, vector<1x16xf32>,
      %get3A_998 = vector.shape_cast %get3A_997 : vector<1x16xf32> to vector<16xf32>
      %gt3A_999 = arith.cmpf ogt, %get3A_998, %scan3A_948 : vector<16xf32>
      %select_n3A_1000 = arith.select %gt3A_999, %get3A_998, %scan3A_948 : vector<16xi1>, vector<16xf32>
      %select_n3A_1001 = arith.select %gt3A_999, %scan3A_950, %scan3A_949 : vector<16xi1>, vector<16xi32>
      %add3A_1002 = arith.constant 64 : i32
      %add3A_1003 = vector.broadcast %add3A_1002 : i32 to vector<16xi32>
      %add3A_1004 = arith.addi %scan3A_950, %add3A_1003 : vector<16xi32>
      %mul3A_1005 = arith.constant 4 : i32
      %mul3A_1006 = arith.muli %scan3A_941, %mul3A_1005 : i32
      %add3A_1007 = arith.constant 3 : i32
      %add3A_1008 = arith.addi %mul3A_1006, %add3A_1007 : i32
      %mul3A_1009 = arith.constant 16 : i32
      %mul3A_1010 = arith.muli %add3A_1008, %mul3A_1009 : i32
      %get3A_1011 = arith.constant 2 : i32
      %get3A_1012 = arith.index_cast %get3A_1011 : i32 to index
      %get3A_1013 = arith.index_cast %mul3A_1010 : i32 to index
      %get3A_1014 = tpu.vector_load %arg4[%get3A_1012, %get3A_1013] {strides = array<i32>} : memref<4x8192xf32, #tpu.memory_space<vmem>>, vector<1x16xf32>,
      %get3A_1015 = vector.shape_cast %get3A_1014 : vector<1x16xf32> to vector<16xf32>
      %gt3A_1016 = arith.cmpf ogt, %get3A_1015, %scan3A_951 : vector<16xf32>
      %select_n3A_1017 = arith.select %gt3A_1016, %get3A_1015, %scan3A_951 : vector<16xi1>, vector<16xf32>
      %select_n3A_1018 = arith.select %gt3A_1016, %scan3A_953, %scan3A_952 : vector<16xi1>, vector<16xi32>
      %add3A_1019 = arith.constant 64 : i32
      %add3A_1020 = vector.broadcast %add3A_1019 : i32 to vector<16xi32>
      %add3A_1021 = arith.addi %scan3A_953, %add3A_1020 : vector<16xi32>
      %scan3A_1022 = arith.constant 1 : i32
      %scan3A_1023 = arith.addi %scan3A_941, %scan3A_1022 : i32
      %mul3A_1024 = arith.constant 4 : i32
      %mul3A_1025 = arith.muli %scan3A_1023, %mul3A_1024 : i32
      %add3A_1026 = arith.constant 0 : i32
      %add3A_1027 = arith.addi %mul3A_1025, %add3A_1026 : i32
      %mul3A_1028 = arith.constant 16 : i32
      %mul3A_1029 = arith.muli %add3A_1027, %mul3A_1028 : i32
      %get3A_1030 = arith.constant 2 : i32
      %get3A_1031 = arith.index_cast %get3A_1030 : i32 to index
      %get3A_1032 = arith.index_cast %mul3A_1029 : i32 to index
      %get3A_1033 = tpu.vector_load %arg4[%get3A_1031, %get3A_1032] {strides = array<i32>} : memref<4x8192xf32, #tpu.memory_space<vmem>>, vector<1x16xf32>,
      %get3A_1034 = vector.shape_cast %get3A_1033 : vector<1x16xf32> to vector<16xf32>
      %gt3A_1035 = arith.cmpf ogt, %get3A_1034, %select_n3A_966 : vector<16xf32>
      %select_n3A_1036 = arith.select %gt3A_1035, %get3A_1034, %select_n3A_966 : vector<16xi1>, vector<16xf32>
      %select_n3A_1037 = arith.select %gt3A_1035, %add3A_970, %select_n3A_967 : vector<16xi1>, vector<16xi32>
      %add3A_1038 = arith.constant 64 : i32
      %add3A_1039 = vector.broadcast %add3A_1038 : i32 to vector<16xi32>
      %add3A_1040 = arith.addi %add3A_970, %add3A_1039 : vector<16xi32>
      %mul3A_1041 = arith.constant 4 : i32
      %mul3A_1042 = arith.muli %scan3A_1023, %mul3A_1041 : i32
      %add3A_1043 = arith.constant 1 : i32
      %add3A_1044 = arith.addi %mul3A_1042, %add3A_1043 : i32
      %mul3A_1045 = arith.constant 16 : i32
      %mul3A_1046 = arith.muli %add3A_1044, %mul3A_1045 : i32
      %get3A_1047 = arith.constant 2 : i32
      %get3A_1048 = arith.index_cast %get3A_1047 : i32 to index
      %get3A_1049 = arith.index_cast %mul3A_1046 : i32 to index
      %get3A_1050 = tpu.vector_load %arg4[%get3A_1048, %get3A_1049] {strides = array<i32>} : memref<4x8192xf32, #tpu.memory_space<vmem>>, vector<1x16xf32>,
      %get3A_1051 = vector.shape_cast %get3A_1050 : vector<1x16xf32> to vector<16xf32>
      %gt3A_1052 = arith.cmpf ogt, %get3A_1051, %select_n3A_983 : vector<16xf32>
      %select_n3A_1053 = arith.select %gt3A_1052, %get3A_1051, %select_n3A_983 : vector<16xi1>, vector<16xf32>
      %select_n3A_1054 = arith.select %gt3A_1052, %add3A_987, %select_n3A_984 : vector<16xi1>, vector<16xi32>
      %add3A_1055 = arith.constant 64 : i32
      %add3A_1056 = vector.broadcast %add3A_1055 : i32 to vector<16xi32>
      %add3A_1057 = arith.addi %add3A_987, %add3A_1056 : vector<16xi32>
      %mul3A_1058 = arith.constant 4 : i32
      %mul3A_1059 = arith.muli %scan3A_1023, %mul3A_1058 : i32
      %add3A_1060 = arith.constant 2 : i32
      %add3A_1061 = arith.addi %mul3A_1059, %add3A_1060 : i32
      %mul3A_1062 = arith.constant 16 : i32
      %mul3A_1063 = arith.muli %add3A_1061, %mul3A_1062 : i32
      %get3A_1064 = arith.constant 2 : i32
      %get3A_1065 = arith.index_cast %get3A_1064 : i32 to index
      %get3A_1066 = arith.index_cast %mul3A_1063 : i32 to index
      %get3A_1067 = tpu.vector_load %arg4[%get3A_1065, %get3A_1066] {strides = array<i32>} : memref<4x8192xf32, #tpu.memory_space<vmem>>, vector<1x16xf32>,
      %get3A_1068 = vector.shape_cast %get3A_1067 : vector<1x16xf32> to vector<16xf32>
      %gt3A_1069 = arith.cmpf ogt, %get3A_1068, %select_n3A_1000 : vector<16xf32>
      %select_n3A_1070 = arith.select %gt3A_1069, %get3A_1068, %select_n3A_1000 : vector<16xi1>, vector<16xf32>
      %select_n3A_1071 = arith.select %gt3A_1069, %add3A_1004, %select_n3A_1001 : vector<16xi1>, vector<16xi32>
      %add3A_1072 = arith.constant 64 : i32
      %add3A_1073 = vector.broadcast %add3A_1072 : i32 to vector<16xi32>
      %add3A_1074 = arith.addi %add3A_1004, %add3A_1073 : vector<16xi32>
      %mul3A_1075 = arith.constant 4 : i32
      %mul3A_1076 = arith.muli %scan3A_1023, %mul3A_1075 : i32
      %add3A_1077 = arith.constant 3 : i32
      %add3A_1078 = arith.addi %mul3A_1076, %add3A_1077 : i32
      %mul3A_1079 = arith.constant 16 : i32
      %mul3A_1080 = arith.muli %add3A_1078, %mul3A_1079 : i32
      %get3A_1081 = arith.constant 2 : i32
      %get3A_1082 = arith.index_cast %get3A_1081 : i32 to index
      %get3A_1083 = arith.index_cast %mul3A_1080 : i32 to index
      %get3A_1084 = tpu.vector_load %arg4[%get3A_1082, %get3A_1083] {strides = array<i32>} : memref<4x8192xf32, #tpu.memory_space<vmem>>, vector<1x16xf32>,
      %get3A_1085 = vector.shape_cast %get3A_1084 : vector<1x16xf32> to vector<16xf32>
      %gt3A_1086 = arith.cmpf ogt, %get3A_1085, %select_n3A_1017 : vector<16xf32>
      %select_n3A_1087 = arith.select %gt3A_1086, %get3A_1085, %select_n3A_1017 : vector<16xi1>, vector<16xf32>
      %select_n3A_1088 = arith.select %gt3A_1086, %add3A_1021, %select_n3A_1018 : vector<16xi1>, vector<16xi32>
      %add3A_1089 = arith.constant 64 : i32
      %add3A_1090 = vector.broadcast %add3A_1089 : i32 to vector<16xi32>
      %add3A_1091 = arith.addi %add3A_1021, %add3A_1090 : vector<16xi32>
      scf.yield %select_n3A_1036, %select_n3A_1037, %add3A_1040, %select_n3A_1053, %select_n3A_1054, %add3A_1057, %select_n3A_1070, %select_n3A_1071, %add3A_1074, %select_n3A_1087, %select_n3A_1088, %add3A_1091 : vector<16xf32>, vector<16xi32>, vector<16xi32>, vector<16xf32>, vector<16xi32>, vector<16xi32>, vector<16xf32>, vector<16xi32>, vector<16xi32>, vector<16xf32>, vector<16xi32>, vector<16xi32>
    }
    %scan3A_511 = arith.constant 128 : i32
    %gt3A_512 = arith.cmpf ogt, %scan3A_510#3, %scan3A_510#0 : vector<16xf32>
    %eq3A_513 = arith.cmpf oeq, %scan3A_510#3, %scan3A_510#0 : vector<16xf32>
    %lt3A_514 = arith.cmpi slt, %scan3A_510#4, %scan3A_510#1 : vector<16xi32>
    %and3A_515 = arith.andi %eq3A_513, %lt3A_514 : vector<16xi1>
    %or3A_516 = arith.ori %gt3A_512, %and3A_515 : vector<16xi1>
    %select_n3A_517 = arith.select %or3A_516, %scan3A_510#3, %scan3A_510#0 : vector<16xi1>, vector<16xf32>
    %select_n3A_518 = arith.select %or3A_516, %scan3A_510#4, %scan3A_510#1 : vector<16xi1>, vector<16xi32>
    %gt3A_519 = arith.cmpf ogt, %scan3A_510#6, %select_n3A_517 : vector<16xf32>
    %eq3A_520 = arith.cmpf oeq, %scan3A_510#6, %select_n3A_517 : vector<16xf32>
    %lt3A_521 = arith.cmpi slt, %scan3A_510#7, %select_n3A_518 : vector<16xi32>
    %and3A_522 = arith.andi %eq3A_520, %lt3A_521 : vector<16xi1>
    %or3A_523 = arith.ori %gt3A_519, %and3A_522 : vector<16xi1>
    %select_n3A_524 = arith.select %or3A_523, %scan3A_510#6, %select_n3A_517 : vector<16xi1>, vector<16xf32>
    %select_n3A_525 = arith.select %or3A_523, %scan3A_510#7, %select_n3A_518 : vector<16xi1>, vector<16xi32>
    %gt3A_526 = arith.cmpf ogt, %scan3A_510#9, %select_n3A_524 : vector<16xf32>
    %eq3A_527 = arith.cmpf oeq, %scan3A_510#9, %select_n3A_524 : vector<16xf32>
    %lt3A_528 = arith.cmpi slt, %scan3A_510#10, %select_n3A_525 : vector<16xi32>
    %and3A_529 = arith.andi %eq3A_527, %lt3A_528 : vector<16xi1>
    %or3A_530 = arith.ori %gt3A_526, %and3A_529 : vector<16xi1>
    %select_n3A_531 = arith.select %or3A_530, %scan3A_510#9, %select_n3A_524 : vector<16xi1>, vector<16xf32>
    %select_n3A_532 = arith.select %or3A_530, %scan3A_510#10, %select_n3A_525 : vector<16xi1>, vector<16xi32>
    %xor3A_533 = arith.constant 1 : i32
    %xor3A_534 = vector.broadcast %xor3A_533 : i32 to vector<16xi32>
    %xor3A_535 = arith.xori %iota3A, %xor3A_534 : vector<16xi32>
    %lt3A_536 = arith.constant 0 : i32
    %lt3A_537 = vector.broadcast %lt3A_536 : i32 to vector<16xi32>
    %lt3A_538 = arith.cmpi slt, %xor3A_535, %lt3A_537 : vector<16xi32>
    %add3A_539 = arith.constant 16 : i32
    %add3A_540 = vector.broadcast %add3A_539 : i32 to vector<16xi32>
    %add3A_541 = arith.addi %xor3A_535, %add3A_540 : vector<16xi32>
    %select_n3A_542 = arith.select %lt3A_538, %add3A_541, %xor3A_535 : vector<16xi1>, vector<16xi32>
    %broadcast_in_dim3A_543 = vector.shape_cast %select_n3A_542 : vector<16xi32> to vector<16x1xi32>
    %gather3A_544 = vector.shape_cast %broadcast_in_dim3A_543 : vector<16x1xi32> to vector<16xi32>
    %gather3A_545 = tpu.dynamic_gather %select_n3A_531[%gather3A_544] in [0] : vector<16xf32>, vector<16xi32> -> vector<16xf32>
    %lt3A_546 = arith.constant 0 : i32
    %lt3A_547 = vector.broadcast %lt3A_546 : i32 to vector<16xi32>
    %lt3A_548 = arith.cmpi slt, %xor3A_535, %lt3A_547 : vector<16xi32>
    %add3A_549 = arith.constant 16 : i32
    %add3A_550 = vector.broadcast %add3A_549 : i32 to vector<16xi32>
    %add3A_551 = arith.addi %xor3A_535, %add3A_550 : vector<16xi32>
    %select_n3A_552 = arith.select %lt3A_548, %add3A_551, %xor3A_535 : vector<16xi1>, vector<16xi32>
    %broadcast_in_dim3A_553 = vector.shape_cast %select_n3A_552 : vector<16xi32> to vector<16x1xi32>
    %gather3A_554 = vector.shape_cast %broadcast_in_dim3A_553 : vector<16x1xi32> to vector<16xi32>
    %gather3A_555 = tpu.dynamic_gather %select_n3A_532[%gather3A_554] in [0] : vector<16xi32>, vector<16xi32> -> vector<16xi32>
    %gt3A_556 = arith.cmpf ogt, %gather3A_545, %select_n3A_531 : vector<16xf32>
    %eq3A_557 = arith.cmpf oeq, %gather3A_545, %select_n3A_531 : vector<16xf32>
    %lt3A_558 = arith.cmpi slt, %gather3A_555, %select_n3A_532 : vector<16xi32>
    %and3A_559 = arith.andi %eq3A_557, %lt3A_558 : vector<16xi1>
    %or3A_560 = arith.ori %gt3A_556, %and3A_559 : vector<16xi1>
    %select_n3A_561 = arith.select %or3A_560, %gather3A_545, %select_n3A_531 : vector<16xi1>, vector<16xf32>
    %select_n3A_562 = arith.select %or3A_560, %gather3A_555, %select_n3A_532 : vector<16xi1>, vector<16xi32>
    %xor3A_563 = arith.constant 2 : i32
    %xor3A_564 = vector.broadcast %xor3A_563 : i32 to vector<16xi32>
    %xor3A_565 = arith.xori %iota3A, %xor3A_564 : vector<16xi32>
    %lt3A_566 = arith.constant 0 : i32
    %lt3A_567 = vector.broadcast %lt3A_566 : i32 to vector<16xi32>
    %lt3A_568 = arith.cmpi slt, %xor3A_565, %lt3A_567 : vector<16xi32>
    %add3A_569 = arith.constant 16 : i32
    %add3A_570 = vector.broadcast %add3A_569 : i32 to vector<16xi32>
    %add3A_571 = arith.addi %xor3A_565, %add3A_570 : vector<16xi32>
    %select_n3A_572 = arith.select %lt3A_568, %add3A_571, %xor3A_565 : vector<16xi1>, vector<16xi32>
    %broadcast_in_dim3A_573 = vector.shape_cast %select_n3A_572 : vector<16xi32> to vector<16x1xi32>
    %gather3A_574 = vector.shape_cast %broadcast_in_dim3A_573 : vector<16x1xi32> to vector<16xi32>
    %gather3A_575 = tpu.dynamic_gather %select_n3A_561[%gather3A_574] in [0] : vector<16xf32>, vector<16xi32> -> vector<16xf32>
    %lt3A_576 = arith.constant 0 : i32
    %lt3A_577 = vector.broadcast %lt3A_576 : i32 to vector<16xi32>
    %lt3A_578 = arith.cmpi slt, %xor3A_565, %lt3A_577 : vector<16xi32>
    %add3A_579 = arith.constant 16 : i32
    %add3A_580 = vector.broadcast %add3A_579 : i32 to vector<16xi32>
    %add3A_581 = arith.addi %xor3A_565, %add3A_580 : vector<16xi32>
    %select_n3A_582 = arith.select %lt3A_578, %add3A_581, %xor3A_565 : vector<16xi1>, vector<16xi32>
    %broadcast_in_dim3A_583 = vector.shape_cast %select_n3A_582 : vector<16xi32> to vector<16x1xi32>
    %gather3A_584 = vector.shape_cast %broadcast_in_dim3A_583 : vector<16x1xi32> to vector<16xi32>
    %gather3A_585 = tpu.dynamic_gather %select_n3A_562[%gather3A_584] in [0] : vector<16xi32>, vector<16xi32> -> vector<16xi32>
    %gt3A_586 = arith.cmpf ogt, %gather3A_575, %select_n3A_561 : vector<16xf32>
    %eq3A_587 = arith.cmpf oeq, %gather3A_575, %select_n3A_561 : vector<16xf32>
    %lt3A_588 = arith.cmpi slt, %gather3A_585, %select_n3A_562 : vector<16xi32>
    %and3A_589 = arith.andi %eq3A_587, %lt3A_588 : vector<16xi1>
    %or3A_590 = arith.ori %gt3A_586, %and3A_589 : vector<16xi1>
    %select_n3A_591 = arith.select %or3A_590, %gather3A_575, %select_n3A_561 : vector<16xi1>, vector<16xf32>
    %select_n3A_592 = arith.select %or3A_590, %gather3A_585, %select_n3A_562 : vector<16xi1>, vector<16xi32>
    %xor3A_593 = arith.constant 4 : i32
    %xor3A_594 = vector.broadcast %xor3A_593 : i32 to vector<16xi32>
    %xor3A_595 = arith.xori %iota3A, %xor3A_594 : vector<16xi32>
    %lt3A_596 = arith.constant 0 : i32
    %lt3A_597 = vector.broadcast %lt3A_596 : i32 to vector<16xi32>
    %lt3A_598 = arith.cmpi slt, %xor3A_595, %lt3A_597 : vector<16xi32>
    %add3A_599 = arith.constant 16 : i32
    %add3A_600 = vector.broadcast %add3A_599 : i32 to vector<16xi32>
    %add3A_601 = arith.addi %xor3A_595, %add3A_600 : vector<16xi32>
    %select_n3A_602 = arith.select %lt3A_598, %add3A_601, %xor3A_595 : vector<16xi1>, vector<16xi32>
    %broadcast_in_dim3A_603 = vector.shape_cast %select_n3A_602 : vector<16xi32> to vector<16x1xi32>
    %gather3A_604 = vector.shape_cast %broadcast_in_dim3A_603 : vector<16x1xi32> to vector<16xi32>
    %gather3A_605 = tpu.dynamic_gather %select_n3A_591[%gather3A_604] in [0] : vector<16xf32>, vector<16xi32> -> vector<16xf32>
    %lt3A_606 = arith.constant 0 : i32
    %lt3A_607 = vector.broadcast %lt3A_606 : i32 to vector<16xi32>
    %lt3A_608 = arith.cmpi slt, %xor3A_595, %lt3A_607 : vector<16xi32>
    %add3A_609 = arith.constant 16 : i32
    %add3A_610 = vector.broadcast %add3A_609 : i32 to vector<16xi32>
    %add3A_611 = arith.addi %xor3A_595, %add3A_610 : vector<16xi32>
    %select_n3A_612 = arith.select %lt3A_608, %add3A_611, %xor3A_595 : vector<16xi1>, vector<16xi32>
    %broadcast_in_dim3A_613 = vector.shape_cast %select_n3A_612 : vector<16xi32> to vector<16x1xi32>
    %gather3A_614 = vector.shape_cast %broadcast_in_dim3A_613 : vector<16x1xi32> to vector<16xi32>
    %gather3A_615 = tpu.dynamic_gather %select_n3A_592[%gather3A_614] in [0] : vector<16xi32>, vector<16xi32> -> vector<16xi32>
    %gt3A_616 = arith.cmpf ogt, %gather3A_605, %select_n3A_591 : vector<16xf32>
    %eq3A_617 = arith.cmpf oeq, %gather3A_605, %select_n3A_591 : vector<16xf32>
    %lt3A_618 = arith.cmpi slt, %gather3A_615, %select_n3A_592 : vector<16xi32>
    %and3A_619 = arith.andi %eq3A_617, %lt3A_618 : vector<16xi1>
    %or3A_620 = arith.ori %gt3A_616, %and3A_619 : vector<16xi1>
    %select_n3A_621 = arith.select %or3A_620, %gather3A_605, %select_n3A_591 : vector<16xi1>, vector<16xf32>
    %select_n3A_622 = arith.select %or3A_620, %gather3A_615, %select_n3A_592 : vector<16xi1>, vector<16xi32>
    %xor3A_623 = arith.constant 8 : i32
    %xor3A_624 = vector.broadcast %xor3A_623 : i32 to vector<16xi32>
    %xor3A_625 = arith.xori %iota3A, %xor3A_624 : vector<16xi32>
    %lt3A_626 = arith.constant 0 : i32
    %lt3A_627 = vector.broadcast %lt3A_626 : i32 to vector<16xi32>
    %lt3A_628 = arith.cmpi slt, %xor3A_625, %lt3A_627 : vector<16xi32>
    %add3A_629 = arith.constant 16 : i32
    %add3A_630 = vector.broadcast %add3A_629 : i32 to vector<16xi32>
    %add3A_631 = arith.addi %xor3A_625, %add3A_630 : vector<16xi32>
    %select_n3A_632 = arith.select %lt3A_628, %add3A_631, %xor3A_625 : vector<16xi1>, vector<16xi32>
    %broadcast_in_dim3A_633 = vector.shape_cast %select_n3A_632 : vector<16xi32> to vector<16x1xi32>
    %gather3A_634 = vector.shape_cast %broadcast_in_dim3A_633 : vector<16x1xi32> to vector<16xi32>
    %gather3A_635 = tpu.dynamic_gather %select_n3A_621[%gather3A_634] in [0] : vector<16xf32>, vector<16xi32> -> vector<16xf32>
    %lt3A_636 = arith.constant 0 : i32
    %lt3A_637 = vector.broadcast %lt3A_636 : i32 to vector<16xi32>
    %lt3A_638 = arith.cmpi slt, %xor3A_625, %lt3A_637 : vector<16xi32>
    %add3A_639 = arith.constant 16 : i32
    %add3A_640 = vector.broadcast %add3A_639 : i32 to vector<16xi32>
    %add3A_641 = arith.addi %xor3A_625, %add3A_640 : vector<16xi32>
    %select_n3A_642 = arith.select %lt3A_638, %add3A_641, %xor3A_625 : vector<16xi1>, vector<16xi32>
    %broadcast_in_dim3A_643 = vector.shape_cast %select_n3A_642 : vector<16xi32> to vector<16x1xi32>
    %gather3A_644 = vector.shape_cast %broadcast_in_dim3A_643 : vector<16x1xi32> to vector<16xi32>
    %gather3A_645 = tpu.dynamic_gather %select_n3A_622[%gather3A_644] in [0] : vector<16xi32>, vector<16xi32> -> vector<16xi32>
    %gt3A_646 = arith.cmpf ogt, %gather3A_635, %select_n3A_621 : vector<16xf32>
    %eq3A_647 = arith.cmpf oeq, %gather3A_635, %select_n3A_621 : vector<16xf32>
    %lt3A_648 = arith.cmpi slt, %gather3A_645, %select_n3A_622 : vector<16xi32>
    %and3A_649 = arith.andi %eq3A_647, %lt3A_648 : vector<16xi1>
    %or3A_650 = arith.ori %gt3A_646, %and3A_649 : vector<16xi1>
    %select_n3A_651 = arith.select %or3A_650, %gather3A_635, %select_n3A_621 : vector<16xi1>, vector<16xf32>
    %select_n3A_652 = arith.select %or3A_650, %gather3A_645, %select_n3A_622 : vector<16xi1>, vector<16xi32>
    %eq3A_653 = arith.constant 2 : i32
    %eq3A_654 = vector.broadcast %eq3A_653 : i32 to vector<16xi32>
    %eq3A_655 = arith.cmpi eq, %iota3A, %eq3A_654 : vector<16xi32>
    %select_n3A_656 = arith.select %eq3A_655, %select_n3A_652, %select_n3A_460 : vector<16xi1>, vector<16xi32>
    %dma_wait3A_657 = arith.constant 31 : i32
    %dma_wait3A_658 = arith.constant 3 : i32
    %dma_wait3A_659 = arith.constant 3 : i32
    %dma_wait3A_660 = arith.constant 0 : i32
    %dma_wait3A_661 = tpu.memref_slice %arg4[%dma_wait3A_658, %dma_wait3A_660] : memref<4x8192xf32, #tpu.memory_space<vmem>> -> memref<1x8192xf32, #tpu.memory_space<vmem>>
    %dma_wait3A_662 = tpu.memref_squeeze %dma_wait3A_661 : memref<1x8192xf32, #tpu.memory_space<vmem>> -> memref<8192xf32, #tpu.memory_space<vmem>>
    %dma_wait3A_663 = arith.constant 0 : i32
    %dma_wait3A_664 = tpu.memref_slice %arg2[%add3A_60, %dma_wait3A_657, %dma_wait3A_663] : memref<128x32x8192xf32, #tpu.memory_space<hbm>> -> memref<1x1x8192xf32, #tpu.memory_space<hbm>>
    %dma_wait3A_665 = tpu.memref_squeeze %dma_wait3A_664 : memref<1x1x8192xf32, #tpu.memory_space<hbm>> -> memref<8192xf32, #tpu.memory_space<hbm>>
    %dma_wait3A_666 = tpu.memref_slice %arg9[%dma_wait3A_659] : memref<4x!tpu.dma_semaphore, #tpu.memory_space<semaphore_mem>> -> memref<1x!tpu.dma_semaphore, #tpu.memory_space<semaphore_mem>>
    %dma_wait3A_667 = tpu.memref_squeeze %dma_wait3A_666 : memref<1x!tpu.dma_semaphore, #tpu.memory_space<semaphore_mem>> -> memref<!tpu.dma_semaphore, #tpu.memory_space<semaphore_mem>>
    %dma_wait3A_668 = arith.constant 0 : i32
    %dma_wait3A_669 = tpu.memref_slice %arg4[%dma_wait3A_658, %dma_wait3A_668] : memref<4x8192xf32, #tpu.memory_space<vmem>> -> memref<1x8192xf32, #tpu.memory_space<vmem>>
    %dma_wait3A_670 = tpu.memref_squeeze %dma_wait3A_669 : memref<1x8192xf32, #tpu.memory_space<vmem>> -> memref<8192xf32, #tpu.memory_space<vmem>>
    %dma_wait3A_671 = arith.constant 0 : i32
    %dma_wait3A_672 = tpu.memref_slice %arg2[%add3A_60, %dma_wait3A_657, %dma_wait3A_671] : memref<128x32x8192xf32, #tpu.memory_space<hbm>> -> memref<1x1x8192xf32, #tpu.memory_space<hbm>>
    %dma_wait3A_673 = tpu.memref_squeeze %dma_wait3A_672 : memref<1x1x8192xf32, #tpu.memory_space<hbm>> -> memref<8192xf32, #tpu.memory_space<hbm>>
    tpu.wait_dma2 semaphore(%dma_wait3A_667 : memref<!tpu.dma_semaphore, #tpu.memory_space<semaphore_mem>>) src(%dma_wait3A_673 : memref<8192xf32, #tpu.memory_space<hbm>>) dst(%dma_wait3A_670 : memref<8192xf32, #tpu.memory_space<vmem>>)
    %broadcast_in_dim3A_674 = arith.constant 0xFF800000 : f32
    %broadcast_in_dim3A_675 = vector.broadcast %broadcast_in_dim3A_674 : f32 to vector<16xf32>
    %broadcast_in_dim3A_676 = arith.constant 0 : i32
    %broadcast_in_dim3A_677 = vector.broadcast %broadcast_in_dim3A_676 : i32 to vector<16xi32>
    %add3A_678 = arith.constant 0 : i32
    %add3A_679 = vector.broadcast %add3A_678 : i32 to vector<16xi32>
    %add3A_680 = arith.addi %iota3A, %add3A_679 : vector<16xi32>
    %broadcast_in_dim3A_681 = arith.constant 0xFF800000 : f32
    %broadcast_in_dim3A_682 = vector.broadcast %broadcast_in_dim3A_681 : f32 to vector<16xf32>
    %broadcast_in_dim3A_683 = arith.constant 0 : i32
    %broadcast_in_dim3A_684 = vector.broadcast %broadcast_in_dim3A_683 : i32 to vector<16xi32>
    %add3A_685 = arith.constant 16 : i32
    %add3A_686 = vector.broadcast %add3A_685 : i32 to vector<16xi32>
    %add3A_687 = arith.addi %iota3A, %add3A_686 : vector<16xi32>
    %broadcast_in_dim3A_688 = arith.constant 0xFF800000 : f32
    %broadcast_in_dim3A_689 = vector.broadcast %broadcast_in_dim3A_688 : f32 to vector<16xf32>
    %broadcast_in_dim3A_690 = arith.constant 0 : i32
    %broadcast_in_dim3A_691 = vector.broadcast %broadcast_in_dim3A_690 : i32 to vector<16xi32>
    %add3A_692 = arith.constant 32 : i32
    %add3A_693 = vector.broadcast %add3A_692 : i32 to vector<16xi32>
    %add3A_694 = arith.addi %iota3A, %add3A_693 : vector<16xi32>
    %broadcast_in_dim3A_695 = arith.constant 0xFF800000 : f32
    %broadcast_in_dim3A_696 = vector.broadcast %broadcast_in_dim3A_695 : f32 to vector<16xf32>
    %broadcast_in_dim3A_697 = arith.constant 0 : i32
    %broadcast_in_dim3A_698 = vector.broadcast %broadcast_in_dim3A_697 : i32 to vector<16xi32>
    %add3A_699 = arith.constant 48 : i32
    %add3A_700 = vector.broadcast %add3A_699 : i32 to vector<16xi32>
    %add3A_701 = arith.addi %iota3A, %add3A_700 : vector<16xi32>
    %scan3A_702 = arith.constant 0 : i32
    %scan3A_703 = arith.constant 128 : i32
    %scan3A_704 = arith.addi %scan3A_702, %scan3A_703 : i32
    %scan3A_705 = arith.constant 2 : i32
    %scan3A_706:12 = scf.for %scan3A_941 = %scan3A_702 to %scan3A_704 step %scan3A_705 iter_args(%scan3A_942 = %broadcast_in_dim3A_675, %scan3A_943 = %broadcast_in_dim3A_677, %scan3A_944 = %add3A_680, %scan3A_945 = %broadcast_in_dim3A_682, %scan3A_946 = %broadcast_in_dim3A_684, %scan3A_947 = %add3A_687, %scan3A_948 = %broadcast_in_dim3A_689, %scan3A_949 = %broadcast_in_dim3A_691, %scan3A_950 = %add3A_694, %scan3A_951 = %broadcast_in_dim3A_696, %scan3A_952 = %broadcast_in_dim3A_698, %scan3A_953 = %add3A_701) -> (vector<16xf32>, vector<16xi32>, vector<16xi32>, vector<16xf32>, vector<16xi32>, vector<16xi32>, vector<16xf32>, vector<16xi32>, vector<16xi32>, vector<16xf32>, vector<16xi32>, vector<16xi32>)  : i32 {
      %mul3A_954 = arith.constant 4 : i32
      %mul3A_955 = arith.muli %scan3A_941, %mul3A_954 : i32
      %add3A_956 = arith.constant 0 : i32
      %add3A_957 = arith.addi %mul3A_955, %add3A_956 : i32
      %mul3A_958 = arith.constant 16 : i32
      %mul3A_959 = arith.muli %add3A_957, %mul3A_958 : i32
      %get3A_960 = arith.constant 3 : i32
      %get3A_961 = arith.index_cast %get3A_960 : i32 to index
      %get3A_962 = arith.index_cast %mul3A_959 : i32 to index
      %get3A_963 = tpu.vector_load %arg4[%get3A_961, %get3A_962] {strides = array<i32>} : memref<4x8192xf32, #tpu.memory_space<vmem>>, vector<1x16xf32>,
      %get3A_964 = vector.shape_cast %get3A_963 : vector<1x16xf32> to vector<16xf32>
      %gt3A_965 = arith.cmpf ogt, %get3A_964, %scan3A_942 : vector<16xf32>
      %select_n3A_966 = arith.select %gt3A_965, %get3A_964, %scan3A_942 : vector<16xi1>, vector<16xf32>
      %select_n3A_967 = arith.select %gt3A_965, %scan3A_944, %scan3A_943 : vector<16xi1>, vector<16xi32>
      %add3A_968 = arith.constant 64 : i32
      %add3A_969 = vector.broadcast %add3A_968 : i32 to vector<16xi32>
      %add3A_970 = arith.addi %scan3A_944, %add3A_969 : vector<16xi32>
      %mul3A_971 = arith.constant 4 : i32
      %mul3A_972 = arith.muli %scan3A_941, %mul3A_971 : i32
      %add3A_973 = arith.constant 1 : i32
      %add3A_974 = arith.addi %mul3A_972, %add3A_973 : i32
      %mul3A_975 = arith.constant 16 : i32
      %mul3A_976 = arith.muli %add3A_974, %mul3A_975 : i32
      %get3A_977 = arith.constant 3 : i32
      %get3A_978 = arith.index_cast %get3A_977 : i32 to index
      %get3A_979 = arith.index_cast %mul3A_976 : i32 to index
      %get3A_980 = tpu.vector_load %arg4[%get3A_978, %get3A_979] {strides = array<i32>} : memref<4x8192xf32, #tpu.memory_space<vmem>>, vector<1x16xf32>,
      %get3A_981 = vector.shape_cast %get3A_980 : vector<1x16xf32> to vector<16xf32>
      %gt3A_982 = arith.cmpf ogt, %get3A_981, %scan3A_945 : vector<16xf32>
      %select_n3A_983 = arith.select %gt3A_982, %get3A_981, %scan3A_945 : vector<16xi1>, vector<16xf32>
      %select_n3A_984 = arith.select %gt3A_982, %scan3A_947, %scan3A_946 : vector<16xi1>, vector<16xi32>
      %add3A_985 = arith.constant 64 : i32
      %add3A_986 = vector.broadcast %add3A_985 : i32 to vector<16xi32>
      %add3A_987 = arith.addi %scan3A_947, %add3A_986 : vector<16xi32>
      %mul3A_988 = arith.constant 4 : i32
      %mul3A_989 = arith.muli %scan3A_941, %mul3A_988 : i32
      %add3A_990 = arith.constant 2 : i32
      %add3A_991 = arith.addi %mul3A_989, %add3A_990 : i32
      %mul3A_992 = arith.constant 16 : i32
      %mul3A_993 = arith.muli %add3A_991, %mul3A_992 : i32
      %get3A_994 = arith.constant 3 : i32
      %get3A_995 = arith.index_cast %get3A_994 : i32 to index
      %get3A_996 = arith.index_cast %mul3A_993 : i32 to index
      %get3A_997 = tpu.vector_load %arg4[%get3A_995, %get3A_996] {strides = array<i32>} : memref<4x8192xf32, #tpu.memory_space<vmem>>, vector<1x16xf32>,
      %get3A_998 = vector.shape_cast %get3A_997 : vector<1x16xf32> to vector<16xf32>
      %gt3A_999 = arith.cmpf ogt, %get3A_998, %scan3A_948 : vector<16xf32>
      %select_n3A_1000 = arith.select %gt3A_999, %get3A_998, %scan3A_948 : vector<16xi1>, vector<16xf32>
      %select_n3A_1001 = arith.select %gt3A_999, %scan3A_950, %scan3A_949 : vector<16xi1>, vector<16xi32>
      %add3A_1002 = arith.constant 64 : i32
      %add3A_1003 = vector.broadcast %add3A_1002 : i32 to vector<16xi32>
      %add3A_1004 = arith.addi %scan3A_950, %add3A_1003 : vector<16xi32>
      %mul3A_1005 = arith.constant 4 : i32
      %mul3A_1006 = arith.muli %scan3A_941, %mul3A_1005 : i32
      %add3A_1007 = arith.constant 3 : i32
      %add3A_1008 = arith.addi %mul3A_1006, %add3A_1007 : i32
      %mul3A_1009 = arith.constant 16 : i32
      %mul3A_1010 = arith.muli %add3A_1008, %mul3A_1009 : i32
      %get3A_1011 = arith.constant 3 : i32
      %get3A_1012 = arith.index_cast %get3A_1011 : i32 to index
      %get3A_1013 = arith.index_cast %mul3A_1010 : i32 to index
      %get3A_1014 = tpu.vector_load %arg4[%get3A_1012, %get3A_1013] {strides = array<i32>} : memref<4x8192xf32, #tpu.memory_space<vmem>>, vector<1x16xf32>,
      %get3A_1015 = vector.shape_cast %get3A_1014 : vector<1x16xf32> to vector<16xf32>
      %gt3A_1016 = arith.cmpf ogt, %get3A_1015, %scan3A_951 : vector<16xf32>
      %select_n3A_1017 = arith.select %gt3A_1016, %get3A_1015, %scan3A_951 : vector<16xi1>, vector<16xf32>
      %select_n3A_1018 = arith.select %gt3A_1016, %scan3A_953, %scan3A_952 : vector<16xi1>, vector<16xi32>
      %add3A_1019 = arith.constant 64 : i32
      %add3A_1020 = vector.broadcast %add3A_1019 : i32 to vector<16xi32>
      %add3A_1021 = arith.addi %scan3A_953, %add3A_1020 : vector<16xi32>
      %scan3A_1022 = arith.constant 1 : i32
      %scan3A_1023 = arith.addi %scan3A_941, %scan3A_1022 : i32
      %mul3A_1024 = arith.constant 4 : i32
      %mul3A_1025 = arith.muli %scan3A_1023, %mul3A_1024 : i32
      %add3A_1026 = arith.constant 0 : i32
      %add3A_1027 = arith.addi %mul3A_1025, %add3A_1026 : i32
      %mul3A_1028 = arith.constant 16 : i32
      %mul3A_1029 = arith.muli %add3A_1027, %mul3A_1028 : i32
      %get3A_1030 = arith.constant 3 : i32
      %get3A_1031 = arith.index_cast %get3A_1030 : i32 to index
      %get3A_1032 = arith.index_cast %mul3A_1029 : i32 to index
      %get3A_1033 = tpu.vector_load %arg4[%get3A_1031, %get3A_1032] {strides = array<i32>} : memref<4x8192xf32, #tpu.memory_space<vmem>>, vector<1x16xf32>,
      %get3A_1034 = vector.shape_cast %get3A_1033 : vector<1x16xf32> to vector<16xf32>
      %gt3A_1035 = arith.cmpf ogt, %get3A_1034, %select_n3A_966 : vector<16xf32>
      %select_n3A_1036 = arith.select %gt3A_1035, %get3A_1034, %select_n3A_966 : vector<16xi1>, vector<16xf32>
      %select_n3A_1037 = arith.select %gt3A_1035, %add3A_970, %select_n3A_967 : vector<16xi1>, vector<16xi32>
      %add3A_1038 = arith.constant 64 : i32
      %add3A_1039 = vector.broadcast %add3A_1038 : i32 to vector<16xi32>
      %add3A_1040 = arith.addi %add3A_970, %add3A_1039 : vector<16xi32>
      %mul3A_1041 = arith.constant 4 : i32
      %mul3A_1042 = arith.muli %scan3A_1023, %mul3A_1041 : i32
      %add3A_1043 = arith.constant 1 : i32
      %add3A_1044 = arith.addi %mul3A_1042, %add3A_1043 : i32
      %mul3A_1045 = arith.constant 16 : i32
      %mul3A_1046 = arith.muli %add3A_1044, %mul3A_1045 : i32
      %get3A_1047 = arith.constant 3 : i32
      %get3A_1048 = arith.index_cast %get3A_1047 : i32 to index
      %get3A_1049 = arith.index_cast %mul3A_1046 : i32 to index
      %get3A_1050 = tpu.vector_load %arg4[%get3A_1048, %get3A_1049] {strides = array<i32>} : memref<4x8192xf32, #tpu.memory_space<vmem>>, vector<1x16xf32>,
      %get3A_1051 = vector.shape_cast %get3A_1050 : vector<1x16xf32> to vector<16xf32>
      %gt3A_1052 = arith.cmpf ogt, %get3A_1051, %select_n3A_983 : vector<16xf32>
      %select_n3A_1053 = arith.select %gt3A_1052, %get3A_1051, %select_n3A_983 : vector<16xi1>, vector<16xf32>
      %select_n3A_1054 = arith.select %gt3A_1052, %add3A_987, %select_n3A_984 : vector<16xi1>, vector<16xi32>
      %add3A_1055 = arith.constant 64 : i32
      %add3A_1056 = vector.broadcast %add3A_1055 : i32 to vector<16xi32>
      %add3A_1057 = arith.addi %add3A_987, %add3A_1056 : vector<16xi32>
      %mul3A_1058 = arith.constant 4 : i32
      %mul3A_1059 = arith.muli %scan3A_1023, %mul3A_1058 : i32
      %add3A_1060 = arith.constant 2 : i32
      %add3A_1061 = arith.addi %mul3A_1059, %add3A_1060 : i32
      %mul3A_1062 = arith.constant 16 : i32
      %mul3A_1063 = arith.muli %add3A_1061, %mul3A_1062 : i32
      %get3A_1064 = arith.constant 3 : i32
      %get3A_1065 = arith.index_cast %get3A_1064 : i32 to index
      %get3A_1066 = arith.index_cast %mul3A_1063 : i32 to index
      %get3A_1067 = tpu.vector_load %arg4[%get3A_1065, %get3A_1066] {strides = array<i32>} : memref<4x8192xf32, #tpu.memory_space<vmem>>, vector<1x16xf32>,
      %get3A_1068 = vector.shape_cast %get3A_1067 : vector<1x16xf32> to vector<16xf32>
      %gt3A_1069 = arith.cmpf ogt, %get3A_1068, %select_n3A_1000 : vector<16xf32>
      %select_n3A_1070 = arith.select %gt3A_1069, %get3A_1068, %select_n3A_1000 : vector<16xi1>, vector<16xf32>
      %select_n3A_1071 = arith.select %gt3A_1069, %add3A_1004, %select_n3A_1001 : vector<16xi1>, vector<16xi32>
      %add3A_1072 = arith.constant 64 : i32
      %add3A_1073 = vector.broadcast %add3A_1072 : i32 to vector<16xi32>
      %add3A_1074 = arith.addi %add3A_1004, %add3A_1073 : vector<16xi32>
      %mul3A_1075 = arith.constant 4 : i32
      %mul3A_1076 = arith.muli %scan3A_1023, %mul3A_1075 : i32
      %add3A_1077 = arith.constant 3 : i32
      %add3A_1078 = arith.addi %mul3A_1076, %add3A_1077 : i32
      %mul3A_1079 = arith.constant 16 : i32
      %mul3A_1080 = arith.muli %add3A_1078, %mul3A_1079 : i32
      %get3A_1081 = arith.constant 3 : i32
      %get3A_1082 = arith.index_cast %get3A_1081 : i32 to index
      %get3A_1083 = arith.index_cast %mul3A_1080 : i32 to index
      %get3A_1084 = tpu.vector_load %arg4[%get3A_1082, %get3A_1083] {strides = array<i32>} : memref<4x8192xf32, #tpu.memory_space<vmem>>, vector<1x16xf32>,
      %get3A_1085 = vector.shape_cast %get3A_1084 : vector<1x16xf32> to vector<16xf32>
      %gt3A_1086 = arith.cmpf ogt, %get3A_1085, %select_n3A_1017 : vector<16xf32>
      %select_n3A_1087 = arith.select %gt3A_1086, %get3A_1085, %select_n3A_1017 : vector<16xi1>, vector<16xf32>
      %select_n3A_1088 = arith.select %gt3A_1086, %add3A_1021, %select_n3A_1018 : vector<16xi1>, vector<16xi32>
      %add3A_1089 = arith.constant 64 : i32
      %add3A_1090 = vector.broadcast %add3A_1089 : i32 to vector<16xi32>
      %add3A_1091 = arith.addi %add3A_1021, %add3A_1090 : vector<16xi32>
      scf.yield %select_n3A_1036, %select_n3A_1037, %add3A_1040, %select_n3A_1053, %select_n3A_1054, %add3A_1057, %select_n3A_1070, %select_n3A_1071, %add3A_1074, %select_n3A_1087, %select_n3A_1088, %add3A_1091 : vector<16xf32>, vector<16xi32>, vector<16xi32>, vector<16xf32>, vector<16xi32>, vector<16xi32>, vector<16xf32>, vector<16xi32>, vector<16xi32>, vector<16xf32>, vector<16xi32>, vector<16xi32>
    }
    %scan3A_707 = arith.constant 128 : i32
    %gt3A_708 = arith.cmpf ogt, %scan3A_706#3, %scan3A_706#0 : vector<16xf32>
    %eq3A_709 = arith.cmpf oeq, %scan3A_706#3, %scan3A_706#0 : vector<16xf32>
    %lt3A_710 = arith.cmpi slt, %scan3A_706#4, %scan3A_706#1 : vector<16xi32>
    %and3A_711 = arith.andi %eq3A_709, %lt3A_710 : vector<16xi1>
    %or3A_712 = arith.ori %gt3A_708, %and3A_711 : vector<16xi1>
    %select_n3A_713 = arith.select %or3A_712, %scan3A_706#3, %scan3A_706#0 : vector<16xi1>, vector<16xf32>
    %select_n3A_714 = arith.select %or3A_712, %scan3A_706#4, %scan3A_706#1 : vector<16xi1>, vector<16xi32>
    %gt3A_715 = arith.cmpf ogt, %scan3A_706#6, %select_n3A_713 : vector<16xf32>
    %eq3A_716 = arith.cmpf oeq, %scan3A_706#6, %select_n3A_713 : vector<16xf32>
    %lt3A_717 = arith.cmpi slt, %scan3A_706#7, %select_n3A_714 : vector<16xi32>
    %and3A_718 = arith.andi %eq3A_716, %lt3A_717 : vector<16xi1>
    %or3A_719 = arith.ori %gt3A_715, %and3A_718 : vector<16xi1>
    %select_n3A_720 = arith.select %or3A_719, %scan3A_706#6, %select_n3A_713 : vector<16xi1>, vector<16xf32>
    %select_n3A_721 = arith.select %or3A_719, %scan3A_706#7, %select_n3A_714 : vector<16xi1>, vector<16xi32>
    %gt3A_722 = arith.cmpf ogt, %scan3A_706#9, %select_n3A_720 : vector<16xf32>
    %eq3A_723 = arith.cmpf oeq, %scan3A_706#9, %select_n3A_720 : vector<16xf32>
    %lt3A_724 = arith.cmpi slt, %scan3A_706#10, %select_n3A_721 : vector<16xi32>
    %and3A_725 = arith.andi %eq3A_723, %lt3A_724 : vector<16xi1>
    %or3A_726 = arith.ori %gt3A_722, %and3A_725 : vector<16xi1>
    %select_n3A_727 = arith.select %or3A_726, %scan3A_706#9, %select_n3A_720 : vector<16xi1>, vector<16xf32>
    %select_n3A_728 = arith.select %or3A_726, %scan3A_706#10, %select_n3A_721 : vector<16xi1>, vector<16xi32>
    %xor3A_729 = arith.constant 1 : i32
    %xor3A_730 = vector.broadcast %xor3A_729 : i32 to vector<16xi32>
    %xor3A_731 = arith.xori %iota3A, %xor3A_730 : vector<16xi32>
    %lt3A_732 = arith.constant 0 : i32
    %lt3A_733 = vector.broadcast %lt3A_732 : i32 to vector<16xi32>
    %lt3A_734 = arith.cmpi slt, %xor3A_731, %lt3A_733 : vector<16xi32>
    %add3A_735 = arith.constant 16 : i32
    %add3A_736 = vector.broadcast %add3A_735 : i32 to vector<16xi32>
    %add3A_737 = arith.addi %xor3A_731, %add3A_736 : vector<16xi32>
    %select_n3A_738 = arith.select %lt3A_734, %add3A_737, %xor3A_731 : vector<16xi1>, vector<16xi32>
    %broadcast_in_dim3A_739 = vector.shape_cast %select_n3A_738 : vector<16xi32> to vector<16x1xi32>
    %gather3A_740 = vector.shape_cast %broadcast_in_dim3A_739 : vector<16x1xi32> to vector<16xi32>
    %gather3A_741 = tpu.dynamic_gather %select_n3A_727[%gather3A_740] in [0] : vector<16xf32>, vector<16xi32> -> vector<16xf32>
    %lt3A_742 = arith.constant 0 : i32
    %lt3A_743 = vector.broadcast %lt3A_742 : i32 to vector<16xi32>
    %lt3A_744 = arith.cmpi slt, %xor3A_731, %lt3A_743 : vector<16xi32>
    %add3A_745 = arith.constant 16 : i32
    %add3A_746 = vector.broadcast %add3A_745 : i32 to vector<16xi32>
    %add3A_747 = arith.addi %xor3A_731, %add3A_746 : vector<16xi32>
    %select_n3A_748 = arith.select %lt3A_744, %add3A_747, %xor3A_731 : vector<16xi1>, vector<16xi32>
    %broadcast_in_dim3A_749 = vector.shape_cast %select_n3A_748 : vector<16xi32> to vector<16x1xi32>
    %gather3A_750 = vector.shape_cast %broadcast_in_dim3A_749 : vector<16x1xi32> to vector<16xi32>
    %gather3A_751 = tpu.dynamic_gather %select_n3A_728[%gather3A_750] in [0] : vector<16xi32>, vector<16xi32> -> vector<16xi32>
    %gt3A_752 = arith.cmpf ogt, %gather3A_741, %select_n3A_727 : vector<16xf32>
    %eq3A_753 = arith.cmpf oeq, %gather3A_741, %select_n3A_727 : vector<16xf32>
    %lt3A_754 = arith.cmpi slt, %gather3A_751, %select_n3A_728 : vector<16xi32>
    %and3A_755 = arith.andi %eq3A_753, %lt3A_754 : vector<16xi1>
    %or3A_756 = arith.ori %gt3A_752, %and3A_755 : vector<16xi1>
    %select_n3A_757 = arith.select %or3A_756, %gather3A_741, %select_n3A_727 : vector<16xi1>, vector<16xf32>
    %select_n3A_758 = arith.select %or3A_756, %gather3A_751, %select_n3A_728 : vector<16xi1>, vector<16xi32>
    %xor3A_759 = arith.constant 2 : i32
    %xor3A_760 = vector.broadcast %xor3A_759 : i32 to vector<16xi32>
    %xor3A_761 = arith.xori %iota3A, %xor3A_760 : vector<16xi32>
    %lt3A_762 = arith.constant 0 : i32
    %lt3A_763 = vector.broadcast %lt3A_762 : i32 to vector<16xi32>
    %lt3A_764 = arith.cmpi slt, %xor3A_761, %lt3A_763 : vector<16xi32>
    %add3A_765 = arith.constant 16 : i32
    %add3A_766 = vector.broadcast %add3A_765 : i32 to vector<16xi32>
    %add3A_767 = arith.addi %xor3A_761, %add3A_766 : vector<16xi32>
    %select_n3A_768 = arith.select %lt3A_764, %add3A_767, %xor3A_761 : vector<16xi1>, vector<16xi32>
    %broadcast_in_dim3A_769 = vector.shape_cast %select_n3A_768 : vector<16xi32> to vector<16x1xi32>
    %gather3A_770 = vector.shape_cast %broadcast_in_dim3A_769 : vector<16x1xi32> to vector<16xi32>
    %gather3A_771 = tpu.dynamic_gather %select_n3A_757[%gather3A_770] in [0] : vector<16xf32>, vector<16xi32> -> vector<16xf32>
    %lt3A_772 = arith.constant 0 : i32
    %lt3A_773 = vector.broadcast %lt3A_772 : i32 to vector<16xi32>
    %lt3A_774 = arith.cmpi slt, %xor3A_761, %lt3A_773 : vector<16xi32>
    %add3A_775 = arith.constant 16 : i32
    %add3A_776 = vector.broadcast %add3A_775 : i32 to vector<16xi32>
    %add3A_777 = arith.addi %xor3A_761, %add3A_776 : vector<16xi32>
    %select_n3A_778 = arith.select %lt3A_774, %add3A_777, %xor3A_761 : vector<16xi1>, vector<16xi32>
    %broadcast_in_dim3A_779 = vector.shape_cast %select_n3A_778 : vector<16xi32> to vector<16x1xi32>
    %gather3A_780 = vector.shape_cast %broadcast_in_dim3A_779 : vector<16x1xi32> to vector<16xi32>
    %gather3A_781 = tpu.dynamic_gather %select_n3A_758[%gather3A_780] in [0] : vector<16xi32>, vector<16xi32> -> vector<16xi32>
    %gt3A_782 = arith.cmpf ogt, %gather3A_771, %select_n3A_757 : vector<16xf32>
    %eq3A_783 = arith.cmpf oeq, %gather3A_771, %select_n3A_757 : vector<16xf32>
    %lt3A_784 = arith.cmpi slt, %gather3A_781, %select_n3A_758 : vector<16xi32>
    %and3A_785 = arith.andi %eq3A_783, %lt3A_784 : vector<16xi1>
    %or3A_786 = arith.ori %gt3A_782, %and3A_785 : vector<16xi1>
    %select_n3A_787 = arith.select %or3A_786, %gather3A_771, %select_n3A_757 : vector<16xi1>, vector<16xf32>
    %select_n3A_788 = arith.select %or3A_786, %gather3A_781, %select_n3A_758 : vector<16xi1>, vector<16xi32>
    %xor3A_789 = arith.constant 4 : i32
    %xor3A_790 = vector.broadcast %xor3A_789 : i32 to vector<16xi32>
    %xor3A_791 = arith.xori %iota3A, %xor3A_790 : vector<16xi32>
    %lt3A_792 = arith.constant 0 : i32
    %lt3A_793 = vector.broadcast %lt3A_792 : i32 to vector<16xi32>
    %lt3A_794 = arith.cmpi slt, %xor3A_791, %lt3A_793 : vector<16xi32>
    %add3A_795 = arith.constant 16 : i32
    %add3A_796 = vector.broadcast %add3A_795 : i32 to vector<16xi32>
    %add3A_797 = arith.addi %xor3A_791, %add3A_796 : vector<16xi32>
    %select_n3A_798 = arith.select %lt3A_794, %add3A_797, %xor3A_791 : vector<16xi1>, vector<16xi32>
    %broadcast_in_dim3A_799 = vector.shape_cast %select_n3A_798 : vector<16xi32> to vector<16x1xi32>
    %gather3A_800 = vector.shape_cast %broadcast_in_dim3A_799 : vector<16x1xi32> to vector<16xi32>
    %gather3A_801 = tpu.dynamic_gather %select_n3A_787[%gather3A_800] in [0] : vector<16xf32>, vector<16xi32> -> vector<16xf32>
    %lt3A_802 = arith.constant 0 : i32
    %lt3A_803 = vector.broadcast %lt3A_802 : i32 to vector<16xi32>
    %lt3A_804 = arith.cmpi slt, %xor3A_791, %lt3A_803 : vector<16xi32>
    %add3A_805 = arith.constant 16 : i32
    %add3A_806 = vector.broadcast %add3A_805 : i32 to vector<16xi32>
    %add3A_807 = arith.addi %xor3A_791, %add3A_806 : vector<16xi32>
    %select_n3A_808 = arith.select %lt3A_804, %add3A_807, %xor3A_791 : vector<16xi1>, vector<16xi32>
    %broadcast_in_dim3A_809 = vector.shape_cast %select_n3A_808 : vector<16xi32> to vector<16x1xi32>
    %gather3A_810 = vector.shape_cast %broadcast_in_dim3A_809 : vector<16x1xi32> to vector<16xi32>
    %gather3A_811 = tpu.dynamic_gather %select_n3A_788[%gather3A_810] in [0] : vector<16xi32>, vector<16xi32> -> vector<16xi32>
    %gt3A_812 = arith.cmpf ogt, %gather3A_801, %select_n3A_787 : vector<16xf32>
    %eq3A_813 = arith.cmpf oeq, %gather3A_801, %select_n3A_787 : vector<16xf32>
    %lt3A_814 = arith.cmpi slt, %gather3A_811, %select_n3A_788 : vector<16xi32>
    %and3A_815 = arith.andi %eq3A_813, %lt3A_814 : vector<16xi1>
    %or3A_816 = arith.ori %gt3A_812, %and3A_815 : vector<16xi1>
    %select_n3A_817 = arith.select %or3A_816, %gather3A_801, %select_n3A_787 : vector<16xi1>, vector<16xf32>
    %select_n3A_818 = arith.select %or3A_816, %gather3A_811, %select_n3A_788 : vector<16xi1>, vector<16xi32>
    %xor3A_819 = arith.constant 8 : i32
    %xor3A_820 = vector.broadcast %xor3A_819 : i32 to vector<16xi32>
    %xor3A_821 = arith.xori %iota3A, %xor3A_820 : vector<16xi32>
    %lt3A_822 = arith.constant 0 : i32
    %lt3A_823 = vector.broadcast %lt3A_822 : i32 to vector<16xi32>
    %lt3A_824 = arith.cmpi slt, %xor3A_821, %lt3A_823 : vector<16xi32>
    %add3A_825 = arith.constant 16 : i32
    %add3A_826 = vector.broadcast %add3A_825 : i32 to vector<16xi32>
    %add3A_827 = arith.addi %xor3A_821, %add3A_826 : vector<16xi32>
    %select_n3A_828 = arith.select %lt3A_824, %add3A_827, %xor3A_821 : vector<16xi1>, vector<16xi32>
    %broadcast_in_dim3A_829 = vector.shape_cast %select_n3A_828 : vector<16xi32> to vector<16x1xi32>
    %gather3A_830 = vector.shape_cast %broadcast_in_dim3A_829 : vector<16x1xi32> to vector<16xi32>
    %gather3A_831 = tpu.dynamic_gather %select_n3A_817[%gather3A_830] in [0] : vector<16xf32>, vector<16xi32> -> vector<16xf32>
    %lt3A_832 = arith.constant 0 : i32
    %lt3A_833 = vector.broadcast %lt3A_832 : i32 to vector<16xi32>
    %lt3A_834 = arith.cmpi slt, %xor3A_821, %lt3A_833 : vector<16xi32>
    %add3A_835 = arith.constant 16 : i32
    %add3A_836 = vector.broadcast %add3A_835 : i32 to vector<16xi32>
    %add3A_837 = arith.addi %xor3A_821, %add3A_836 : vector<16xi32>
    %select_n3A_838 = arith.select %lt3A_834, %add3A_837, %xor3A_821 : vector<16xi1>, vector<16xi32>
    %broadcast_in_dim3A_839 = vector.shape_cast %select_n3A_838 : vector<16xi32> to vector<16x1xi32>
    %gather3A_840 = vector.shape_cast %broadcast_in_dim3A_839 : vector<16x1xi32> to vector<16xi32>
    %gather3A_841 = tpu.dynamic_gather %select_n3A_818[%gather3A_840] in [0] : vector<16xi32>, vector<16xi32> -> vector<16xi32>
    %gt3A_842 = arith.cmpf ogt, %gather3A_831, %select_n3A_817 : vector<16xf32>
    %eq3A_843 = arith.cmpf oeq, %gather3A_831, %select_n3A_817 : vector<16xf32>
    %lt3A_844 = arith.cmpi slt, %gather3A_841, %select_n3A_818 : vector<16xi32>
    %and3A_845 = arith.andi %eq3A_843, %lt3A_844 : vector<16xi1>
    %or3A_846 = arith.ori %gt3A_842, %and3A_845 : vector<16xi1>
    %select_n3A_847 = arith.select %or3A_846, %gather3A_831, %select_n3A_817 : vector<16xi1>, vector<16xf32>
    %select_n3A_848 = arith.select %or3A_846, %gather3A_841, %select_n3A_818 : vector<16xi1>, vector<16xi32>
    %eq3A_849 = arith.constant 3 : i32
    %eq3A_850 = vector.broadcast %eq3A_849 : i32 to vector<16xi32>
    %eq3A_851 = arith.cmpi eq, %iota3A, %eq3A_850 : vector<16xi32>
    %select_n3A_852 = arith.select %eq3A_851, %select_n3A_848, %select_n3A_656 : vector<16xi1>, vector<16xi32>
    %swap3A = arith.constant 0 : index
    %swap3A_853 = tpu.vector_load %arg5[%swap3A] {strides = array<i32>} : memref<16xi32, #tpu.memory_space<vmem>>, vector<16xi32>,
    %swap3A_854 = vector.shape_cast %swap3A_853 : vector<16xi32> to vector<16xi32>
    %swap3A_855 = vector.shape_cast %select_n3A_852 : vector<16xi32> to vector<16xi32>
    tpu.vector_store %arg5[%swap3A], %swap3A_855 {strides = array<i32>} : memref<16xi32, #tpu.memory_space<vmem>>, vector<16xi32>,
    %mul3A_856 = arith.constant 16 : i32
    %mul3A_857 = arith.muli %arg1, %mul3A_856 : i32
    "tpu.region"() ({
      %run_scoped3A = tpu.sem_alloc : memref<!tpu.dma_semaphore, #tpu.memory_space<semaphore_mem>>
      %dma_start3A_941 = tpu.memref_slice %arg6[%mul3A_857] : memref<256xi32, #tpu.memory_space<vmem_shared>> -> memref<16xi32, #tpu.memory_space<vmem_shared>>
      %dma_start3A_942 = tpu.memref_slice %arg6[%mul3A_857] : memref<256xi32, #tpu.memory_space<vmem_shared>> -> memref<16xi32, #tpu.memory_space<vmem_shared>>
      tpu.enqueue_dma source(%arg5 : memref<16xi32, #tpu.memory_space<vmem>>) target(%dma_start3A_942 : memref<16xi32, #tpu.memory_space<vmem_shared>>) target_semaphore(%run_scoped3A : memref<!tpu.dma_semaphore, #tpu.memory_space<semaphore_mem>>)
      %dma_wait3A_943 = tpu.memref_slice %arg6[%mul3A_857] : memref<256xi32, #tpu.memory_space<vmem_shared>> -> memref<16xi32, #tpu.memory_space<vmem_shared>>
      %dma_wait3A_944 = tpu.memref_slice %arg6[%mul3A_857] : memref<256xi32, #tpu.memory_space<vmem_shared>> -> memref<16xi32, #tpu.memory_space<vmem_shared>>
      tpu.wait_dma2 semaphore(%run_scoped3A : memref<!tpu.dma_semaphore, #tpu.memory_space<semaphore_mem>>) src(%arg5 : memref<16xi32, #tpu.memory_space<vmem>>) dst(%dma_wait3A_944 : memref<16xi32, #tpu.memory_space<vmem_shared>>)
      tpu.yield
    }) : () -> ()
    %barrier3A = arith.constant 0 : index
    tpu.barrier barrier_id(%barrier3A)
    %and3A_858 = arith.constant 3 : i32
    %and3A_859 = arith.andi %arg1, %and3A_858 : i32
    %mul3A_860 = arith.constant 4 : i32
    %mul3A_861 = arith.muli %and3A_859, %mul3A_860 : i32
    %mul3A_862 = arith.constant 16 : i32
    %mul3A_863 = arith.muli %mul3A_861, %mul3A_862 : i32
    "tpu.region"() ({
      %run_scoped3A = tpu.sem_alloc : memref<!tpu.dma_semaphore, #tpu.memory_space<semaphore_mem>>
      %dma_start3A_941 = tpu.memref_slice %arg6[%mul3A_863] : memref<256xi32, #tpu.memory_space<vmem_shared>> -> memref<64xi32, #tpu.memory_space<vmem_shared>>
      %dma_start3A_942 = tpu.memref_slice %arg6[%mul3A_863] : memref<256xi32, #tpu.memory_space<vmem_shared>> -> memref<64xi32, #tpu.memory_space<vmem_shared>>
      tpu.enqueue_dma source(%dma_start3A_942 : memref<64xi32, #tpu.memory_space<vmem_shared>>) target(%arg7 : memref<64xi32, #tpu.memory_space<vmem>>) target_semaphore(%run_scoped3A : memref<!tpu.dma_semaphore, #tpu.memory_space<semaphore_mem>>)
      %dma_wait3A_943 = tpu.memref_slice %arg6[%mul3A_863] : memref<256xi32, #tpu.memory_space<vmem_shared>> -> memref<64xi32, #tpu.memory_space<vmem_shared>>
      %dma_wait3A_944 = tpu.memref_slice %arg6[%mul3A_863] : memref<256xi32, #tpu.memory_space<vmem_shared>> -> memref<64xi32, #tpu.memory_space<vmem_shared>>
      tpu.wait_dma2 semaphore(%run_scoped3A : memref<!tpu.dma_semaphore, #tpu.memory_space<semaphore_mem>>) src(%dma_wait3A_944 : memref<64xi32, #tpu.memory_space<vmem_shared>>) dst(%arg7 : memref<64xi32, #tpu.memory_space<vmem>>)
      tpu.yield
    }) : () -> ()
    %get3A = arith.constant 0 : index
    %get3A_864 = tpu.vector_load %arg7[%get3A] {strides = array<i32>} : memref<64xi32, #tpu.memory_space<vmem>>, vector<16xi32>,
    %get3A_865 = vector.shape_cast %get3A_864 : vector<16xi32> to vector<16xi32>
    %get3A_866 = arith.constant 16 : index
    %get3A_867 = tpu.vector_load %arg7[%get3A_866] {strides = array<i32>} : memref<64xi32, #tpu.memory_space<vmem>>, vector<16xi32>,
    %get3A_868 = vector.shape_cast %get3A_867 : vector<16xi32> to vector<16xi32>
    %get3A_869 = arith.constant 32 : index
    %get3A_870 = tpu.vector_load %arg7[%get3A_869] {strides = array<i32>} : memref<64xi32, #tpu.memory_space<vmem>>, vector<16xi32>,
    %get3A_871 = vector.shape_cast %get3A_870 : vector<16xi32> to vector<16xi32>
    %get3A_872 = arith.constant 48 : index
    %get3A_873 = tpu.vector_load %arg7[%get3A_872] {strides = array<i32>} : memref<64xi32, #tpu.memory_space<vmem>>, vector<16xi32>,
    %get3A_874 = vector.shape_cast %get3A_873 : vector<16xi32> to vector<16xi32>
    %sub3A = arith.constant 4 : i32
    %sub3A_875 = vector.broadcast %sub3A : i32 to vector<16xi32>
    %sub3A_876 = arith.subi %iota3A, %sub3A_875 : vector<16xi32>
    %and3A_877 = arith.constant 15 : i32
    %and3A_878 = vector.broadcast %and3A_877 : i32 to vector<16xi32>
    %and3A_879 = arith.andi %sub3A_876, %and3A_878 : vector<16xi32>
    %lt3A_880 = arith.constant 0 : i32
    %lt3A_881 = vector.broadcast %lt3A_880 : i32 to vector<16xi32>
    %lt3A_882 = arith.cmpi slt, %and3A_879, %lt3A_881 : vector<16xi32>
    %add3A_883 = arith.constant 16 : i32
    %add3A_884 = vector.broadcast %add3A_883 : i32 to vector<16xi32>
    %add3A_885 = arith.addi %and3A_879, %add3A_884 : vector<16xi32>
    %select_n3A_886 = arith.select %lt3A_882, %add3A_885, %and3A_879 : vector<16xi1>, vector<16xi32>
    %broadcast_in_dim3A_887 = vector.shape_cast %select_n3A_886 : vector<16xi32> to vector<16x1xi32>
    %gather3A_888 = vector.shape_cast %broadcast_in_dim3A_887 : vector<16x1xi32> to vector<16xi32>
    %gather3A_889 = tpu.dynamic_gather %get3A_868[%gather3A_888] in [0] : vector<16xi32>, vector<16xi32> -> vector<16xi32>
    %lt3A_890 = arith.constant 4 : i32
    %lt3A_891 = vector.broadcast %lt3A_890 : i32 to vector<16xi32>
    %lt3A_892 = arith.cmpi slt, %iota3A, %lt3A_891 : vector<16xi32>
    %select_n3A_893 = arith.select %lt3A_892, %get3A_865, %gather3A_889 : vector<16xi1>, vector<16xi32>
    %sub3A_894 = arith.constant 8 : i32
    %sub3A_895 = vector.broadcast %sub3A_894 : i32 to vector<16xi32>
    %sub3A_896 = arith.subi %iota3A, %sub3A_895 : vector<16xi32>
    %and3A_897 = arith.constant 15 : i32
    %and3A_898 = vector.broadcast %and3A_897 : i32 to vector<16xi32>
    %and3A_899 = arith.andi %sub3A_896, %and3A_898 : vector<16xi32>
    %lt3A_900 = arith.constant 0 : i32
    %lt3A_901 = vector.broadcast %lt3A_900 : i32 to vector<16xi32>
    %lt3A_902 = arith.cmpi slt, %and3A_899, %lt3A_901 : vector<16xi32>
    %add3A_903 = arith.constant 16 : i32
    %add3A_904 = vector.broadcast %add3A_903 : i32 to vector<16xi32>
    %add3A_905 = arith.addi %and3A_899, %add3A_904 : vector<16xi32>
    %select_n3A_906 = arith.select %lt3A_902, %add3A_905, %and3A_899 : vector<16xi1>, vector<16xi32>
    %broadcast_in_dim3A_907 = vector.shape_cast %select_n3A_906 : vector<16xi32> to vector<16x1xi32>
    %gather3A_908 = vector.shape_cast %broadcast_in_dim3A_907 : vector<16x1xi32> to vector<16xi32>
    %gather3A_909 = tpu.dynamic_gather %get3A_871[%gather3A_908] in [0] : vector<16xi32>, vector<16xi32> -> vector<16xi32>
    %lt3A_910 = arith.constant 8 : i32
    %lt3A_911 = vector.broadcast %lt3A_910 : i32 to vector<16xi32>
    %lt3A_912 = arith.cmpi slt, %iota3A, %lt3A_911 : vector<16xi32>
    %select_n3A_913 = arith.select %lt3A_912, %select_n3A_893, %gather3A_909 : vector<16xi1>, vector<16xi32>
    %sub3A_914 = arith.constant 12 : i32
    %sub3A_915 = vector.broadcast %sub3A_914 : i32 to vector<16xi32>
    %sub3A_916 = arith.subi %iota3A, %sub3A_915 : vector<16xi32>
    %and3A_917 = arith.constant 15 : i32
    %and3A_918 = vector.broadcast %and3A_917 : i32 to vector<16xi32>
    %and3A_919 = arith.andi %sub3A_916, %and3A_918 : vector<16xi32>
    %lt3A_920 = arith.constant 0 : i32
    %lt3A_921 = vector.broadcast %lt3A_920 : i32 to vector<16xi32>
    %lt3A_922 = arith.cmpi slt, %and3A_919, %lt3A_921 : vector<16xi32>
    %add3A_923 = arith.constant 16 : i32
    %add3A_924 = vector.broadcast %add3A_923 : i32 to vector<16xi32>
    %add3A_925 = arith.addi %and3A_919, %add3A_924 : vector<16xi32>
    %select_n3A_926 = arith.select %lt3A_922, %add3A_925, %and3A_919 : vector<16xi1>, vector<16xi32>
    %broadcast_in_dim3A_927 = vector.shape_cast %select_n3A_926 : vector<16xi32> to vector<16x1xi32>
    %gather3A_928 = vector.shape_cast %broadcast_in_dim3A_927 : vector<16x1xi32> to vector<16xi32>
    %gather3A_929 = tpu.dynamic_gather %get3A_874[%gather3A_928] in [0] : vector<16xi32>, vector<16xi32> -> vector<16xi32>
    %lt3A_930 = arith.constant 12 : i32
    %lt3A_931 = vector.broadcast %lt3A_930 : i32 to vector<16xi32>
    %lt3A_932 = arith.cmpi slt, %iota3A, %lt3A_931 : vector<16xi32>
    %select_n3A_933 = arith.select %lt3A_932, %select_n3A_913, %gather3A_929 : vector<16xi1>, vector<16xi32>
    %swap3A_934 = arith.constant 0 : index
    %swap3A_935 = tpu.vector_load %arg8[%swap3A_934] {strides = array<i32>} : memref<16xi32, #tpu.memory_space<vmem>>, vector<16xi32>,
    %swap3A_936 = vector.shape_cast %swap3A_935 : vector<16xi32> to vector<16xi32>
    %swap3A_937 = vector.shape_cast %select_n3A_933 : vector<16xi32> to vector<16xi32>
    tpu.vector_store %arg8[%swap3A_934], %swap3A_937 {strides = array<i32>} : memref<16xi32, #tpu.memory_space<vmem>>, vector<16xi32>,
    %lt3A_938 = arith.constant 4 : i32
    %lt3A_939 = arith.cmpi slt, %arg1, %lt3A_938 : i32
    %convert_element_type3A = arith.extui %lt3A_939 : i1 to i32
    %cond3A = arith.constant 0 : i32
    %cond3A_940 = arith.cmpi ne, %convert_element_type3A, %cond3A : i32
    scf.if %cond3A_940 {
      %mul3A_941 = arith.constant 64 : i32
      %mul3A_942 = arith.muli %arg0, %mul3A_941 : i32
      %mul3A_943 = arith.constant 16 : i32
      %mul3A_944 = arith.muli %and3A_859, %mul3A_943 : i32
      %add3A_945 = arith.addi %mul3A_942, %mul3A_944 : i32
      "tpu.region"() ({
        %run_scoped3A = tpu.sem_alloc : memref<!tpu.dma_semaphore, #tpu.memory_space<semaphore_mem>>
        %dma_start3A_946 = tpu.memref_slice %arg3[%add3A_945] : memref<128xi32, #tpu.memory_space<hbm>> -> memref<16xi32, #tpu.memory_space<hbm>>
        %dma_start3A_947 = tpu.memref_slice %arg3[%add3A_945] : memref<128xi32, #tpu.memory_space<hbm>> -> memref<16xi32, #tpu.memory_space<hbm>>
        tpu.enqueue_dma source(%arg8 : memref<16xi32, #tpu.memory_space<vmem>>) target(%dma_start3A_947 : memref<16xi32, #tpu.memory_space<hbm>>) target_semaphore(%run_scoped3A : memref<!tpu.dma_semaphore, #tpu.memory_space<semaphore_mem>>)
        %dma_wait3A_948 = tpu.memref_slice %arg3[%add3A_945] : memref<128xi32, #tpu.memory_space<hbm>> -> memref<16xi32, #tpu.memory_space<hbm>>
        %dma_wait3A_949 = tpu.memref_slice %arg3[%add3A_945] : memref<128xi32, #tpu.memory_space<hbm>> -> memref<16xi32, #tpu.memory_space<hbm>>
        tpu.wait_dma2 semaphore(%run_scoped3A : memref<!tpu.dma_semaphore, #tpu.memory_space<semaphore_mem>>) src(%arg8 : memref<16xi32, #tpu.memory_space<vmem>>) dst(%dma_wait3A_949 : memref<16xi32, #tpu.memory_space<hbm>>)
        tpu.yield
      }) : () -> ()
    } else {
    }
    return
  }
}

module attributes {stable_mosaic.version = 14 : i64} {
  func.func @body(%arg0: memref<128x32x8192xf32, #tpu.memory_space<any>>, %arg1: memref<128x8192xf32, #tpu.memory_space<any>>, %arg2: memref<3x32x8192xf32, #tpu.memory_space<vmem>>, %arg3: memref<3x!tpu.dma_semaphore, #tpu.memory_space<semaphore_mem>>, %arg4: memref<3x!tpu.dma_semaphore, #tpu.memory_space<semaphore_mem>>) attributes {dimension_semantics = [], scalar_prefetch = 0 : i64, scratch_operands = 3 : i64, tpu.core_type = #tpu.core_type<tc>} {
    %dma_start3A = arith.constant 31 : i32
    %dma_start3A_0 = arith.constant 0 : i32
    %dma_start3A_1 = arith.constant 0 : i32
    %dma_start3A_2 = tpu.memref_slice %arg3[%dma_start3A_1] : memref<3x!tpu.dma_semaphore, #tpu.memory_space<semaphore_mem>> -> memref<1x!tpu.dma_semaphore, #tpu.memory_space<semaphore_mem>>
    %dma_start3A_3 = tpu.memref_squeeze %dma_start3A_2 : memref<1x!tpu.dma_semaphore, #tpu.memory_space<semaphore_mem>> -> memref<!tpu.dma_semaphore, #tpu.memory_space<semaphore_mem>>
    %dma_start3A_4 = arith.constant 0 : i32
    %dma_start3A_5 = arith.constant 0 : i32
    %dma_start3A_6 = tpu.memref_slice %arg2[%dma_start3A_0, %dma_start3A_4, %dma_start3A_5] : memref<3x32x8192xf32, #tpu.memory_space<vmem>> -> memref<1x32x8192xf32, #tpu.memory_space<vmem>>
    %dma_start3A_7 = tpu.memref_squeeze %dma_start3A_6 : memref<1x32x8192xf32, #tpu.memory_space<vmem>> -> memref<32x8192xf32, #tpu.memory_space<vmem>>
    %dma_start3A_8 = arith.constant 0 : i32
    %dma_start3A_9 = arith.constant 0 : i32
    %dma_start3A_10 = tpu.memref_slice %arg0[%dma_start3A_8, %dma_start3A, %dma_start3A_9] : memref<128x32x8192xf32, #tpu.memory_space<any>> -> memref<32x1x8192xf32, #tpu.memory_space<any>>
    %dma_start3A_11 = tpu.memref_squeeze %dma_start3A_10 : memref<32x1x8192xf32, #tpu.memory_space<any>> -> memref<32x8192xf32, #tpu.memory_space<any>>
    tpu.enqueue_dma source(%dma_start3A_11 : memref<32x8192xf32, #tpu.memory_space<any>>) target(%dma_start3A_7 : memref<32x8192xf32, #tpu.memory_space<vmem>>) target_semaphore(%dma_start3A_3 : memref<!tpu.dma_semaphore, #tpu.memory_space<semaphore_mem>>)
    %dma_start3A_12 = arith.constant 31 : i32
    %dma_start3A_13 = arith.constant 1 : i32
    %dma_start3A_14 = arith.constant 1 : i32
    %dma_start3A_15 = tpu.memref_slice %arg3[%dma_start3A_14] : memref<3x!tpu.dma_semaphore, #tpu.memory_space<semaphore_mem>> -> memref<1x!tpu.dma_semaphore, #tpu.memory_space<semaphore_mem>>
    %dma_start3A_16 = tpu.memref_squeeze %dma_start3A_15 : memref<1x!tpu.dma_semaphore, #tpu.memory_space<semaphore_mem>> -> memref<!tpu.dma_semaphore, #tpu.memory_space<semaphore_mem>>
    %dma_start3A_17 = arith.constant 0 : i32
    %dma_start3A_18 = arith.constant 0 : i32
    %dma_start3A_19 = tpu.memref_slice %arg2[%dma_start3A_13, %dma_start3A_17, %dma_start3A_18] : memref<3x32x8192xf32, #tpu.memory_space<vmem>> -> memref<1x32x8192xf32, #tpu.memory_space<vmem>>
    %dma_start3A_20 = tpu.memref_squeeze %dma_start3A_19 : memref<1x32x8192xf32, #tpu.memory_space<vmem>> -> memref<32x8192xf32, #tpu.memory_space<vmem>>
    %dma_start3A_21 = arith.constant 32 : i32
    %dma_start3A_22 = arith.constant 0 : i32
    %dma_start3A_23 = tpu.memref_slice %arg0[%dma_start3A_21, %dma_start3A_12, %dma_start3A_22] : memref<128x32x8192xf32, #tpu.memory_space<any>> -> memref<32x1x8192xf32, #tpu.memory_space<any>>
    %dma_start3A_24 = tpu.memref_squeeze %dma_start3A_23 : memref<32x1x8192xf32, #tpu.memory_space<any>> -> memref<32x8192xf32, #tpu.memory_space<any>>
    tpu.enqueue_dma source(%dma_start3A_24 : memref<32x8192xf32, #tpu.memory_space<any>>) target(%dma_start3A_20 : memref<32x8192xf32, #tpu.memory_space<vmem>>) target_semaphore(%dma_start3A_16 : memref<!tpu.dma_semaphore, #tpu.memory_space<semaphore_mem>>)
    %dma_wait3A = arith.constant 31 : i32
    %dma_wait3A_25 = arith.constant 0 : i32
    %dma_wait3A_26 = arith.constant 0 : i32
    %dma_wait3A_27 = tpu.memref_slice %arg3[%dma_wait3A_26] : memref<3x!tpu.dma_semaphore, #tpu.memory_space<semaphore_mem>> -> memref<1x!tpu.dma_semaphore, #tpu.memory_space<semaphore_mem>>
    %dma_wait3A_28 = tpu.memref_squeeze %dma_wait3A_27 : memref<1x!tpu.dma_semaphore, #tpu.memory_space<semaphore_mem>> -> memref<!tpu.dma_semaphore, #tpu.memory_space<semaphore_mem>>
    %dma_wait3A_29 = arith.constant 0 : i32
    %dma_wait3A_30 = arith.constant 0 : i32
    %dma_wait3A_31 = tpu.memref_slice %arg2[%dma_wait3A_25, %dma_wait3A_29, %dma_wait3A_30] : memref<3x32x8192xf32, #tpu.memory_space<vmem>> -> memref<1x32x8192xf32, #tpu.memory_space<vmem>>
    %dma_wait3A_32 = tpu.memref_squeeze %dma_wait3A_31 : memref<1x32x8192xf32, #tpu.memory_space<vmem>> -> memref<32x8192xf32, #tpu.memory_space<vmem>>
    %dma_wait3A_33 = arith.constant 0 : i32
    %dma_wait3A_34 = arith.constant 0 : i32
    %dma_wait3A_35 = tpu.memref_slice %arg0[%dma_wait3A_33, %dma_wait3A, %dma_wait3A_34] : memref<128x32x8192xf32, #tpu.memory_space<any>> -> memref<32x1x8192xf32, #tpu.memory_space<any>>
    %dma_wait3A_36 = tpu.memref_squeeze %dma_wait3A_35 : memref<32x1x8192xf32, #tpu.memory_space<any>> -> memref<32x8192xf32, #tpu.memory_space<any>>
    tpu.wait_dma2 semaphore(%dma_wait3A_28 : memref<!tpu.dma_semaphore, #tpu.memory_space<semaphore_mem>>) src(%dma_wait3A_36 : memref<32x8192xf32, #tpu.memory_space<any>>) dst(%dma_wait3A_32 : memref<32x8192xf32, #tpu.memory_space<vmem>>)
    %dma_start3A_37 = arith.constant 0 : i32
    %dma_start3A_38 = arith.constant 0 : i32
    %dma_start3A_39 = tpu.memref_slice %arg4[%dma_start3A_38] : memref<3x!tpu.dma_semaphore, #tpu.memory_space<semaphore_mem>> -> memref<1x!tpu.dma_semaphore, #tpu.memory_space<semaphore_mem>>
    %dma_start3A_40 = tpu.memref_squeeze %dma_start3A_39 : memref<1x!tpu.dma_semaphore, #tpu.memory_space<semaphore_mem>> -> memref<!tpu.dma_semaphore, #tpu.memory_space<semaphore_mem>>
    %dma_start3A_41 = arith.constant 0 : i32
    %dma_start3A_42 = arith.constant 0 : i32
    %dma_start3A_43 = tpu.memref_slice %arg1[%dma_start3A_41, %dma_start3A_42] : memref<128x8192xf32, #tpu.memory_space<any>> -> memref<32x8192xf32, #tpu.memory_space<any>>
    %dma_start3A_44 = arith.constant 0 : i32
    %dma_start3A_45 = arith.constant 0 : i32
    %dma_start3A_46 = tpu.memref_slice %arg2[%dma_start3A_37, %dma_start3A_44, %dma_start3A_45] : memref<3x32x8192xf32, #tpu.memory_space<vmem>> -> memref<1x32x8192xf32, #tpu.memory_space<vmem>>
    %dma_start3A_47 = tpu.memref_squeeze %dma_start3A_46 : memref<1x32x8192xf32, #tpu.memory_space<vmem>> -> memref<32x8192xf32, #tpu.memory_space<vmem>>
    tpu.enqueue_dma source(%dma_start3A_47 : memref<32x8192xf32, #tpu.memory_space<vmem>>) target(%dma_start3A_43 : memref<32x8192xf32, #tpu.memory_space<any>>) target_semaphore(%dma_start3A_40 : memref<!tpu.dma_semaphore, #tpu.memory_space<semaphore_mem>>)
    %dma_start3A_48 = arith.constant 31 : i32
    %dma_start3A_49 = arith.constant 2 : i32
    %dma_start3A_50 = arith.constant 2 : i32
    %dma_start3A_51 = tpu.memref_slice %arg3[%dma_start3A_50] : memref<3x!tpu.dma_semaphore, #tpu.memory_space<semaphore_mem>> -> memref<1x!tpu.dma_semaphore, #tpu.memory_space<semaphore_mem>>
    %dma_start3A_52 = tpu.memref_squeeze %dma_start3A_51 : memref<1x!tpu.dma_semaphore, #tpu.memory_space<semaphore_mem>> -> memref<!tpu.dma_semaphore, #tpu.memory_space<semaphore_mem>>
    %dma_start3A_53 = arith.constant 0 : i32
    %dma_start3A_54 = arith.constant 0 : i32
    %dma_start3A_55 = tpu.memref_slice %arg2[%dma_start3A_49, %dma_start3A_53, %dma_start3A_54] : memref<3x32x8192xf32, #tpu.memory_space<vmem>> -> memref<1x32x8192xf32, #tpu.memory_space<vmem>>
    %dma_start3A_56 = tpu.memref_squeeze %dma_start3A_55 : memref<1x32x8192xf32, #tpu.memory_space<vmem>> -> memref<32x8192xf32, #tpu.memory_space<vmem>>
    %dma_start3A_57 = arith.constant 64 : i32
    %dma_start3A_58 = arith.constant 0 : i32
    %dma_start3A_59 = tpu.memref_slice %arg0[%dma_start3A_57, %dma_start3A_48, %dma_start3A_58] : memref<128x32x8192xf32, #tpu.memory_space<any>> -> memref<32x1x8192xf32, #tpu.memory_space<any>>
    %dma_start3A_60 = tpu.memref_squeeze %dma_start3A_59 : memref<32x1x8192xf32, #tpu.memory_space<any>> -> memref<32x8192xf32, #tpu.memory_space<any>>
    tpu.enqueue_dma source(%dma_start3A_60 : memref<32x8192xf32, #tpu.memory_space<any>>) target(%dma_start3A_56 : memref<32x8192xf32, #tpu.memory_space<vmem>>) target_semaphore(%dma_start3A_52 : memref<!tpu.dma_semaphore, #tpu.memory_space<semaphore_mem>>)
    %dma_wait3A_61 = arith.constant 31 : i32
    %dma_wait3A_62 = arith.constant 1 : i32
    %dma_wait3A_63 = arith.constant 1 : i32
    %dma_wait3A_64 = tpu.memref_slice %arg3[%dma_wait3A_63] : memref<3x!tpu.dma_semaphore, #tpu.memory_space<semaphore_mem>> -> memref<1x!tpu.dma_semaphore, #tpu.memory_space<semaphore_mem>>
    %dma_wait3A_65 = tpu.memref_squeeze %dma_wait3A_64 : memref<1x!tpu.dma_semaphore, #tpu.memory_space<semaphore_mem>> -> memref<!tpu.dma_semaphore, #tpu.memory_space<semaphore_mem>>
    %dma_wait3A_66 = arith.constant 0 : i32
    %dma_wait3A_67 = arith.constant 0 : i32
    %dma_wait3A_68 = tpu.memref_slice %arg2[%dma_wait3A_62, %dma_wait3A_66, %dma_wait3A_67] : memref<3x32x8192xf32, #tpu.memory_space<vmem>> -> memref<1x32x8192xf32, #tpu.memory_space<vmem>>
    %dma_wait3A_69 = tpu.memref_squeeze %dma_wait3A_68 : memref<1x32x8192xf32, #tpu.memory_space<vmem>> -> memref<32x8192xf32, #tpu.memory_space<vmem>>
    %dma_wait3A_70 = arith.constant 32 : i32
    %dma_wait3A_71 = arith.constant 0 : i32
    %dma_wait3A_72 = tpu.memref_slice %arg0[%dma_wait3A_70, %dma_wait3A_61, %dma_wait3A_71] : memref<128x32x8192xf32, #tpu.memory_space<any>> -> memref<32x1x8192xf32, #tpu.memory_space<any>>
    %dma_wait3A_73 = tpu.memref_squeeze %dma_wait3A_72 : memref<32x1x8192xf32, #tpu.memory_space<any>> -> memref<32x8192xf32, #tpu.memory_space<any>>
    tpu.wait_dma2 semaphore(%dma_wait3A_65 : memref<!tpu.dma_semaphore, #tpu.memory_space<semaphore_mem>>) src(%dma_wait3A_73 : memref<32x8192xf32, #tpu.memory_space<any>>) dst(%dma_wait3A_69 : memref<32x8192xf32, #tpu.memory_space<vmem>>)
    %dma_start3A_74 = arith.constant 1 : i32
    %dma_start3A_75 = arith.constant 1 : i32
    %dma_start3A_76 = tpu.memref_slice %arg4[%dma_start3A_75] : memref<3x!tpu.dma_semaphore, #tpu.memory_space<semaphore_mem>> -> memref<1x!tpu.dma_semaphore, #tpu.memory_space<semaphore_mem>>
    %dma_start3A_77 = tpu.memref_squeeze %dma_start3A_76 : memref<1x!tpu.dma_semaphore, #tpu.memory_space<semaphore_mem>> -> memref<!tpu.dma_semaphore, #tpu.memory_space<semaphore_mem>>
    %dma_start3A_78 = arith.constant 32 : i32
    %dma_start3A_79 = arith.constant 0 : i32
    %dma_start3A_80 = tpu.memref_slice %arg1[%dma_start3A_78, %dma_start3A_79] : memref<128x8192xf32, #tpu.memory_space<any>> -> memref<32x8192xf32, #tpu.memory_space<any>>
    %dma_start3A_81 = arith.constant 0 : i32
    %dma_start3A_82 = arith.constant 0 : i32
    %dma_start3A_83 = tpu.memref_slice %arg2[%dma_start3A_74, %dma_start3A_81, %dma_start3A_82] : memref<3x32x8192xf32, #tpu.memory_space<vmem>> -> memref<1x32x8192xf32, #tpu.memory_space<vmem>>
    %dma_start3A_84 = tpu.memref_squeeze %dma_start3A_83 : memref<1x32x8192xf32, #tpu.memory_space<vmem>> -> memref<32x8192xf32, #tpu.memory_space<vmem>>
    tpu.enqueue_dma source(%dma_start3A_84 : memref<32x8192xf32, #tpu.memory_space<vmem>>) target(%dma_start3A_80 : memref<32x8192xf32, #tpu.memory_space<any>>) target_semaphore(%dma_start3A_77 : memref<!tpu.dma_semaphore, #tpu.memory_space<semaphore_mem>>)
    %dma_wait3A_85 = arith.constant 0 : i32
    %dma_wait3A_86 = arith.constant 0 : i32
    %dma_wait3A_87 = tpu.memref_slice %arg4[%dma_wait3A_86] : memref<3x!tpu.dma_semaphore, #tpu.memory_space<semaphore_mem>> -> memref<1x!tpu.dma_semaphore, #tpu.memory_space<semaphore_mem>>
    %dma_wait3A_88 = tpu.memref_squeeze %dma_wait3A_87 : memref<1x!tpu.dma_semaphore, #tpu.memory_space<semaphore_mem>> -> memref<!tpu.dma_semaphore, #tpu.memory_space<semaphore_mem>>
    %dma_wait3A_89 = arith.constant 0 : i32
    %dma_wait3A_90 = arith.constant 0 : i32
    %dma_wait3A_91 = tpu.memref_slice %arg1[%dma_wait3A_89, %dma_wait3A_90] : memref<128x8192xf32, #tpu.memory_space<any>> -> memref<32x8192xf32, #tpu.memory_space<any>>
    %dma_wait3A_92 = arith.constant 0 : i32
    %dma_wait3A_93 = arith.constant 0 : i32
    %dma_wait3A_94 = tpu.memref_slice %arg2[%dma_wait3A_85, %dma_wait3A_92, %dma_wait3A_93] : memref<3x32x8192xf32, #tpu.memory_space<vmem>> -> memref<1x32x8192xf32, #tpu.memory_space<vmem>>
    %dma_wait3A_95 = tpu.memref_squeeze %dma_wait3A_94 : memref<1x32x8192xf32, #tpu.memory_space<vmem>> -> memref<32x8192xf32, #tpu.memory_space<vmem>>
    tpu.wait_dma2 semaphore(%dma_wait3A_88 : memref<!tpu.dma_semaphore, #tpu.memory_space<semaphore_mem>>) src(%dma_wait3A_95 : memref<32x8192xf32, #tpu.memory_space<vmem>>) dst(%dma_wait3A_91 : memref<32x8192xf32, #tpu.memory_space<any>>)
    %dma_start3A_96 = arith.constant 31 : i32
    %dma_start3A_97 = arith.constant 0 : i32
    %dma_start3A_98 = arith.constant 0 : i32
    %dma_start3A_99 = tpu.memref_slice %arg3[%dma_start3A_98] : memref<3x!tpu.dma_semaphore, #tpu.memory_space<semaphore_mem>> -> memref<1x!tpu.dma_semaphore, #tpu.memory_space<semaphore_mem>>
    %dma_start3A_100 = tpu.memref_squeeze %dma_start3A_99 : memref<1x!tpu.dma_semaphore, #tpu.memory_space<semaphore_mem>> -> memref<!tpu.dma_semaphore, #tpu.memory_space<semaphore_mem>>
    %dma_start3A_101 = arith.constant 0 : i32
    %dma_start3A_102 = arith.constant 0 : i32
    %dma_start3A_103 = tpu.memref_slice %arg2[%dma_start3A_97, %dma_start3A_101, %dma_start3A_102] : memref<3x32x8192xf32, #tpu.memory_space<vmem>> -> memref<1x32x8192xf32, #tpu.memory_space<vmem>>
    %dma_start3A_104 = tpu.memref_squeeze %dma_start3A_103 : memref<1x32x8192xf32, #tpu.memory_space<vmem>> -> memref<32x8192xf32, #tpu.memory_space<vmem>>
    %dma_start3A_105 = arith.constant 96 : i32
    %dma_start3A_106 = arith.constant 0 : i32
    %dma_start3A_107 = tpu.memref_slice %arg0[%dma_start3A_105, %dma_start3A_96, %dma_start3A_106] : memref<128x32x8192xf32, #tpu.memory_space<any>> -> memref<32x1x8192xf32, #tpu.memory_space<any>>
    %dma_start3A_108 = tpu.memref_squeeze %dma_start3A_107 : memref<32x1x8192xf32, #tpu.memory_space<any>> -> memref<32x8192xf32, #tpu.memory_space<any>>
    tpu.enqueue_dma source(%dma_start3A_108 : memref<32x8192xf32, #tpu.memory_space<any>>) target(%dma_start3A_104 : memref<32x8192xf32, #tpu.memory_space<vmem>>) target_semaphore(%dma_start3A_100 : memref<!tpu.dma_semaphore, #tpu.memory_space<semaphore_mem>>)
    %dma_wait3A_109 = arith.constant 31 : i32
    %dma_wait3A_110 = arith.constant 2 : i32
    %dma_wait3A_111 = arith.constant 2 : i32
    %dma_wait3A_112 = tpu.memref_slice %arg3[%dma_wait3A_111] : memref<3x!tpu.dma_semaphore, #tpu.memory_space<semaphore_mem>> -> memref<1x!tpu.dma_semaphore, #tpu.memory_space<semaphore_mem>>
    %dma_wait3A_113 = tpu.memref_squeeze %dma_wait3A_112 : memref<1x!tpu.dma_semaphore, #tpu.memory_space<semaphore_mem>> -> memref<!tpu.dma_semaphore, #tpu.memory_space<semaphore_mem>>
    %dma_wait3A_114 = arith.constant 0 : i32
    %dma_wait3A_115 = arith.constant 0 : i32
    %dma_wait3A_116 = tpu.memref_slice %arg2[%dma_wait3A_110, %dma_wait3A_114, %dma_wait3A_115] : memref<3x32x8192xf32, #tpu.memory_space<vmem>> -> memref<1x32x8192xf32, #tpu.memory_space<vmem>>
    %dma_wait3A_117 = tpu.memref_squeeze %dma_wait3A_116 : memref<1x32x8192xf32, #tpu.memory_space<vmem>> -> memref<32x8192xf32, #tpu.memory_space<vmem>>
    %dma_wait3A_118 = arith.constant 64 : i32
    %dma_wait3A_119 = arith.constant 0 : i32
    %dma_wait3A_120 = tpu.memref_slice %arg0[%dma_wait3A_118, %dma_wait3A_109, %dma_wait3A_119] : memref<128x32x8192xf32, #tpu.memory_space<any>> -> memref<32x1x8192xf32, #tpu.memory_space<any>>
    %dma_wait3A_121 = tpu.memref_squeeze %dma_wait3A_120 : memref<32x1x8192xf32, #tpu.memory_space<any>> -> memref<32x8192xf32, #tpu.memory_space<any>>
    tpu.wait_dma2 semaphore(%dma_wait3A_113 : memref<!tpu.dma_semaphore, #tpu.memory_space<semaphore_mem>>) src(%dma_wait3A_121 : memref<32x8192xf32, #tpu.memory_space<any>>) dst(%dma_wait3A_117 : memref<32x8192xf32, #tpu.memory_space<vmem>>)
    %dma_start3A_122 = arith.constant 2 : i32
    %dma_start3A_123 = arith.constant 2 : i32
    %dma_start3A_124 = tpu.memref_slice %arg4[%dma_start3A_123] : memref<3x!tpu.dma_semaphore, #tpu.memory_space<semaphore_mem>> -> memref<1x!tpu.dma_semaphore, #tpu.memory_space<semaphore_mem>>
    %dma_start3A_125 = tpu.memref_squeeze %dma_start3A_124 : memref<1x!tpu.dma_semaphore, #tpu.memory_space<semaphore_mem>> -> memref<!tpu.dma_semaphore, #tpu.memory_space<semaphore_mem>>
    %dma_start3A_126 = arith.constant 64 : i32
    %dma_start3A_127 = arith.constant 0 : i32
    %dma_start3A_128 = tpu.memref_slice %arg1[%dma_start3A_126, %dma_start3A_127] : memref<128x8192xf32, #tpu.memory_space<any>> -> memref<32x8192xf32, #tpu.memory_space<any>>
    %dma_start3A_129 = arith.constant 0 : i32
    %dma_start3A_130 = arith.constant 0 : i32
    %dma_start3A_131 = tpu.memref_slice %arg2[%dma_start3A_122, %dma_start3A_129, %dma_start3A_130] : memref<3x32x8192xf32, #tpu.memory_space<vmem>> -> memref<1x32x8192xf32, #tpu.memory_space<vmem>>
    %dma_start3A_132 = tpu.memref_squeeze %dma_start3A_131 : memref<1x32x8192xf32, #tpu.memory_space<vmem>> -> memref<32x8192xf32, #tpu.memory_space<vmem>>
    tpu.enqueue_dma source(%dma_start3A_132 : memref<32x8192xf32, #tpu.memory_space<vmem>>) target(%dma_start3A_128 : memref<32x8192xf32, #tpu.memory_space<any>>) target_semaphore(%dma_start3A_125 : memref<!tpu.dma_semaphore, #tpu.memory_space<semaphore_mem>>)
    %dma_wait3A_133 = arith.constant 31 : i32
    %dma_wait3A_134 = arith.constant 0 : i32
    %dma_wait3A_135 = arith.constant 0 : i32
    %dma_wait3A_136 = tpu.memref_slice %arg3[%dma_wait3A_135] : memref<3x!tpu.dma_semaphore, #tpu.memory_space<semaphore_mem>> -> memref<1x!tpu.dma_semaphore, #tpu.memory_space<semaphore_mem>>
    %dma_wait3A_137 = tpu.memref_squeeze %dma_wait3A_136 : memref<1x!tpu.dma_semaphore, #tpu.memory_space<semaphore_mem>> -> memref<!tpu.dma_semaphore, #tpu.memory_space<semaphore_mem>>
    %dma_wait3A_138 = arith.constant 0 : i32
    %dma_wait3A_139 = arith.constant 0 : i32
    %dma_wait3A_140 = tpu.memref_slice %arg2[%dma_wait3A_134, %dma_wait3A_138, %dma_wait3A_139] : memref<3x32x8192xf32, #tpu.memory_space<vmem>> -> memref<1x32x8192xf32, #tpu.memory_space<vmem>>
    %dma_wait3A_141 = tpu.memref_squeeze %dma_wait3A_140 : memref<1x32x8192xf32, #tpu.memory_space<vmem>> -> memref<32x8192xf32, #tpu.memory_space<vmem>>
    %dma_wait3A_142 = arith.constant 96 : i32
    %dma_wait3A_143 = arith.constant 0 : i32
    %dma_wait3A_144 = tpu.memref_slice %arg0[%dma_wait3A_142, %dma_wait3A_133, %dma_wait3A_143] : memref<128x32x8192xf32, #tpu.memory_space<any>> -> memref<32x1x8192xf32, #tpu.memory_space<any>>
    %dma_wait3A_145 = tpu.memref_squeeze %dma_wait3A_144 : memref<32x1x8192xf32, #tpu.memory_space<any>> -> memref<32x8192xf32, #tpu.memory_space<any>>
    tpu.wait_dma2 semaphore(%dma_wait3A_137 : memref<!tpu.dma_semaphore, #tpu.memory_space<semaphore_mem>>) src(%dma_wait3A_145 : memref<32x8192xf32, #tpu.memory_space<any>>) dst(%dma_wait3A_141 : memref<32x8192xf32, #tpu.memory_space<vmem>>)
    %dma_start3A_146 = arith.constant 0 : i32
    %dma_start3A_147 = arith.constant 0 : i32
    %dma_start3A_148 = tpu.memref_slice %arg4[%dma_start3A_147] : memref<3x!tpu.dma_semaphore, #tpu.memory_space<semaphore_mem>> -> memref<1x!tpu.dma_semaphore, #tpu.memory_space<semaphore_mem>>
    %dma_start3A_149 = tpu.memref_squeeze %dma_start3A_148 : memref<1x!tpu.dma_semaphore, #tpu.memory_space<semaphore_mem>> -> memref<!tpu.dma_semaphore, #tpu.memory_space<semaphore_mem>>
    %dma_start3A_150 = arith.constant 96 : i32
    %dma_start3A_151 = arith.constant 0 : i32
    %dma_start3A_152 = tpu.memref_slice %arg1[%dma_start3A_150, %dma_start3A_151] : memref<128x8192xf32, #tpu.memory_space<any>> -> memref<32x8192xf32, #tpu.memory_space<any>>
    %dma_start3A_153 = arith.constant 0 : i32
    %dma_start3A_154 = arith.constant 0 : i32
    %dma_start3A_155 = tpu.memref_slice %arg2[%dma_start3A_146, %dma_start3A_153, %dma_start3A_154] : memref<3x32x8192xf32, #tpu.memory_space<vmem>> -> memref<1x32x8192xf32, #tpu.memory_space<vmem>>
    %dma_start3A_156 = tpu.memref_squeeze %dma_start3A_155 : memref<1x32x8192xf32, #tpu.memory_space<vmem>> -> memref<32x8192xf32, #tpu.memory_space<vmem>>
    tpu.enqueue_dma source(%dma_start3A_156 : memref<32x8192xf32, #tpu.memory_space<vmem>>) target(%dma_start3A_152 : memref<32x8192xf32, #tpu.memory_space<any>>) target_semaphore(%dma_start3A_149 : memref<!tpu.dma_semaphore, #tpu.memory_space<semaphore_mem>>)
    %dma_wait3A_157 = arith.constant 1 : i32
    %dma_wait3A_158 = arith.constant 1 : i32
    %dma_wait3A_159 = tpu.memref_slice %arg4[%dma_wait3A_158] : memref<3x!tpu.dma_semaphore, #tpu.memory_space<semaphore_mem>> -> memref<1x!tpu.dma_semaphore, #tpu.memory_space<semaphore_mem>>
    %dma_wait3A_160 = tpu.memref_squeeze %dma_wait3A_159 : memref<1x!tpu.dma_semaphore, #tpu.memory_space<semaphore_mem>> -> memref<!tpu.dma_semaphore, #tpu.memory_space<semaphore_mem>>
    %dma_wait3A_161 = arith.constant 32 : i32
    %dma_wait3A_162 = arith.constant 0 : i32
    %dma_wait3A_163 = tpu.memref_slice %arg1[%dma_wait3A_161, %dma_wait3A_162] : memref<128x8192xf32, #tpu.memory_space<any>> -> memref<32x8192xf32, #tpu.memory_space<any>>
    %dma_wait3A_164 = arith.constant 0 : i32
    %dma_wait3A_165 = arith.constant 0 : i32
    %dma_wait3A_166 = tpu.memref_slice %arg2[%dma_wait3A_157, %dma_wait3A_164, %dma_wait3A_165] : memref<3x32x8192xf32, #tpu.memory_space<vmem>> -> memref<1x32x8192xf32, #tpu.memory_space<vmem>>
    %dma_wait3A_167 = tpu.memref_squeeze %dma_wait3A_166 : memref<1x32x8192xf32, #tpu.memory_space<vmem>> -> memref<32x8192xf32, #tpu.memory_space<vmem>>
    tpu.wait_dma2 semaphore(%dma_wait3A_160 : memref<!tpu.dma_semaphore, #tpu.memory_space<semaphore_mem>>) src(%dma_wait3A_167 : memref<32x8192xf32, #tpu.memory_space<vmem>>) dst(%dma_wait3A_163 : memref<32x8192xf32, #tpu.memory_space<any>>)
    %dma_wait3A_168 = arith.constant 2 : i32
    %dma_wait3A_169 = arith.constant 2 : i32
    %dma_wait3A_170 = tpu.memref_slice %arg4[%dma_wait3A_169] : memref<3x!tpu.dma_semaphore, #tpu.memory_space<semaphore_mem>> -> memref<1x!tpu.dma_semaphore, #tpu.memory_space<semaphore_mem>>
    %dma_wait3A_171 = tpu.memref_squeeze %dma_wait3A_170 : memref<1x!tpu.dma_semaphore, #tpu.memory_space<semaphore_mem>> -> memref<!tpu.dma_semaphore, #tpu.memory_space<semaphore_mem>>
    %dma_wait3A_172 = arith.constant 64 : i32
    %dma_wait3A_173 = arith.constant 0 : i32
    %dma_wait3A_174 = tpu.memref_slice %arg1[%dma_wait3A_172, %dma_wait3A_173] : memref<128x8192xf32, #tpu.memory_space<any>> -> memref<32x8192xf32, #tpu.memory_space<any>>
    %dma_wait3A_175 = arith.constant 0 : i32
    %dma_wait3A_176 = arith.constant 0 : i32
    %dma_wait3A_177 = tpu.memref_slice %arg2[%dma_wait3A_168, %dma_wait3A_175, %dma_wait3A_176] : memref<3x32x8192xf32, #tpu.memory_space<vmem>> -> memref<1x32x8192xf32, #tpu.memory_space<vmem>>
    %dma_wait3A_178 = tpu.memref_squeeze %dma_wait3A_177 : memref<1x32x8192xf32, #tpu.memory_space<vmem>> -> memref<32x8192xf32, #tpu.memory_space<vmem>>
    tpu.wait_dma2 semaphore(%dma_wait3A_171 : memref<!tpu.dma_semaphore, #tpu.memory_space<semaphore_mem>>) src(%dma_wait3A_178 : memref<32x8192xf32, #tpu.memory_space<vmem>>) dst(%dma_wait3A_174 : memref<32x8192xf32, #tpu.memory_space<any>>)
    %dma_wait3A_179 = arith.constant 0 : i32
    %dma_wait3A_180 = arith.constant 0 : i32
    %dma_wait3A_181 = tpu.memref_slice %arg4[%dma_wait3A_180] : memref<3x!tpu.dma_semaphore, #tpu.memory_space<semaphore_mem>> -> memref<1x!tpu.dma_semaphore, #tpu.memory_space<semaphore_mem>>
    %dma_wait3A_182 = tpu.memref_squeeze %dma_wait3A_181 : memref<1x!tpu.dma_semaphore, #tpu.memory_space<semaphore_mem>> -> memref<!tpu.dma_semaphore, #tpu.memory_space<semaphore_mem>>
    %dma_wait3A_183 = arith.constant 96 : i32
    %dma_wait3A_184 = arith.constant 0 : i32
    %dma_wait3A_185 = tpu.memref_slice %arg1[%dma_wait3A_183, %dma_wait3A_184] : memref<128x8192xf32, #tpu.memory_space<any>> -> memref<32x8192xf32, #tpu.memory_space<any>>
    %dma_wait3A_186 = arith.constant 0 : i32
    %dma_wait3A_187 = arith.constant 0 : i32
    %dma_wait3A_188 = tpu.memref_slice %arg2[%dma_wait3A_179, %dma_wait3A_186, %dma_wait3A_187] : memref<3x32x8192xf32, #tpu.memory_space<vmem>> -> memref<1x32x8192xf32, #tpu.memory_space<vmem>>
    %dma_wait3A_189 = tpu.memref_squeeze %dma_wait3A_188 : memref<1x32x8192xf32, #tpu.memory_space<vmem>> -> memref<32x8192xf32, #tpu.memory_space<vmem>>
    tpu.wait_dma2 semaphore(%dma_wait3A_182 : memref<!tpu.dma_semaphore, #tpu.memory_space<semaphore_mem>>) src(%dma_wait3A_189 : memref<32x8192xf32, #tpu.memory_space<vmem>>) dst(%dma_wait3A_185 : memref<32x8192xf32, #tpu.memory_space<any>>)
    return
  }
}

</mosaic_0001>

<sc_bundles>
// kernel: kernel.4.cloned.1.call-start
scs
__scs_entry_jumppad:
0x0: {  	(pc) =	sbr.rel $0x88, $3  }
0x1: {  	(tag) =	ssettag $0x0;
	lr =	simm.s32 $0x1  }
0x2: {  	[smem:$0x3FA0] =	sst lr;
	_ =	strace $0xD0000000  }
0x3: {  	_ = 	snop  }
0x4: {  	_ = 	snop  }
0x5: {  	_ = 	snop  }
0x6: {  	_ = 	snop  }
0x7: {  	_ = 	snop  }
__scs_overlays_trampoline_lowered:
0x8: {  	[smem:$0x3FAF] =	sst s0  }
0x9: {  	[smem:$0x3FB0] =	sst s1  }
0xa: {  	[smem:$0x3FB1] =	sst s2  }
0xb: {  	[smem:$0x3FB2] =	sst s3  }
0xc: {  	[smem:$0x3FB3] =	sst s4  }
0xd: {  	[smem:$0x3FB4] =	sst s5  }
0xe: {  	[smem:$0x3FB5] =	sst s6  }
0xf: {  	[smem:$0x3FB6] =	sst s7  }
0x10: {  	[smem:$0x3FB7] =	sst s8  }
0x11: {  	[smem:$0x3FB8] =	sst s9;
	s0 =	simm.s32 @!p0 $0x0  }
0x12: {  	s1 =	sld [smem:$0x3F9E];
	s0 =	simm.s32 @p0 $0x1  }
0x13: {  	[smem:$0x3FB9] =	sst s0;
	s0 =	simm.s32 @!p1 $0x0  }
0x14: {  	s2 =	sld [smem:$0x3F9D];
	s0 =	simm.s32 @p1 $0x1  }
0x15: {  	[smem:$0x3FBA] =	sst s0;
	s0 =	simm.s32 @!p2 $0x0  }
0x16: {  	s3 =	sld [smem:$0x3FDB];
	s0 =	simm.s32 @p2 $0x1  }
0x17: {  	s4 =	simm.s32 $0x1BF5;
	[smem:$0x3FBC] =	sst s0  }
0x18: {  	s0 =	sld [smem:$0x3F9F];
	_ =	swait.ge [sflag:s4], $0x0  }
0x19: {  	s7 =	sld [smem:$0x3FA0]  }
0x1a: {  	s8 =	sadd.s32 $0xFFFFE003, lr  }
0x1b: {  	s9 =	sadd.s32 $0xFFFFFEF7, lr;
	s5 =	simm.s32 $0xFFFFFFFF;
	p2 =	slt.u32 s8, $0xFFFFF086  }
0x1c: {  	p1 =	slt.u32 s9, $0xF7A;
	s5 =	simm.s32 @!p2 $0x0  }
0x1d: {  	s5 =	simm.s32 @p1 $0x1;
	p0 =	seq.s32 s7, s2  }
0x1e: {  	s7 =	smul.u32 @!p0 $0xF7A, s2;
	p2 =	seq.s32 @!p0 s5, $0x0  }
0x1f: {  	s9 =	smul.u32 $0xF7A, s1;
	s8 =	simm.s32 @!p0 $0x1BF5;
	p2 =	por !p2, p0  }
0x20: {  	[sflag:s8] =	ssyncset.s32 @!p0 $0xFFFFF086;
	s6 =	sadd.s32 @!p0 s3, s7;
	s7 =	simm.s32 @!p0 $0x108  }
0x21: {  	s3 =	sadd.s32 s3, s9;
	s6 =	sadd.s32 @!p0 $0x88, s6;
	s7 =	simm.s32 @p2 $0x1082  }
0x22: {  	[simem:s7], [sflag:s8] =	dma.local @!p0 [hbm:s6], $0xF7A  }
0x23: {  	s9 =	sor.u32 $0xD0000000, s2;
	s6 =	simm.s32 $0x108;
	_ =	swait.ge @!p0 [sflag:s8], $0x0  }
0x24: {  	s3 =	sadd.s32 $0x88, s3;
	s6 =	simm.s32 @!p1 $0x1082;
	[sflag:s4] =	ssyncset.s32 $0xFFFFF086  }
0x25: {  	[simem:s6], [sflag:s4] =	dma.local [hbm:s3], $0xF7A  }
0x26: {  	[smem:$0x3FA0] =	sst s1;
	(tag) =	ssettag s2;
	_ =	strace s9  }
0x27: {  	s1 =	sld [smem:$0x3FB0]  }
0x28: {  	s2 =	sld [smem:$0x3FB1]  }
0x29: {  	s4 =	sld [smem:$0x3FB3]  }
0x2a: {  	p0 =	seq.s32 s5, $0x0;
	s5 =	sld [smem:$0x3FB4]  }
0x2b: {  	s6 =	sld [smem:$0x3FB5]  }
0x2c: {  	s7 =	sld [smem:$0x3FB6]  }
0x2d: {  	s3 =	simm.s32 $0x108;
	s8 =	sld [smem:$0x3FB7]  }
0x2e: {  	s3 =	simm.s32 @!p0 $0x1082;
	s9 =	sld [smem:$0x3FB8]  }
0x2f: {  	lr =	sadd.s32 s0, s3;
	s0 =	sld [smem:$0x3FAF]  }
0x30: {  	s3 =	sld [smem:$0x3FB2]  }
0x31: {  	[smem:$0x3FBB] =	sst s10  }
0x32: {  	s10 =	sld [smem:$0x3FB9];
	_ =	sdelay $0x3  }
0x33: {  	p0 =	seq.s32 s10, $0x1;
	s10 =	sld [smem:$0x3FBB];
	_ =	sdelay $0x3  }
0x34: {  	[smem:$0x3FBB] =	sst s10  }
0x35: {  	s10 =	sld [smem:$0x3FBA];
	_ =	sdelay $0x3  }
0x36: {  	p1 =	seq.s32 s10, $0x1;
	s10 =	sld [smem:$0x3FBB];
	_ =	sdelay $0x3  }
0x37: {  	[smem:$0x3FBB] =	sst s10  }
0x38: {  	s10 =	sld [smem:$0x3FBC]  }
0x39: {  	_ = 	snop;
	(pc) =	sbr.ind lr, $3  }
0x3a: {  	_ = 	snop  }
0x3b: {  	_ = 	snop  }
0x3c: {  	p2 =	seq.s32 s10, $0x1;
	s10 =	sld [smem:$0x3FBB]  }
0x3d: {  	_ =	shalt  }
0x3e: {  	_ =	shalt  }
0x3f: {  	_ =	shalt  }
0x40: {  	_ =	shalt  }
0x41: {  	_ =	shalt  }
0x42: {  	_ =	shalt  }
0x43: {  	_ =	shalt  }
0x44: {  	_ =	shalt  }
0x45: {  	_ =	shalt  }
0x46: {  	_ =	shalt  }
0x47: {  	_ =	shalt  }
0x48: {  	_ =	shalt  }
0x49: {  	_ =	shalt  }
0x4a: {  	_ =	shalt  }
0x4b: {  	_ =	shalt  }
0x4c: {  	_ =	shalt  }
0x4d: {  	_ =	shalt  }
0x4e: {  	_ =	shalt  }
0x4f: {  	_ =	shalt  }
0x50: {  	_ =	shalt  }
0x51: {  	_ =	shalt  }
0x52: {  	_ =	shalt  }
0x53: {  	_ =	shalt  }
0x54: {  	_ =	shalt  }
0x55: {  	_ =	shalt  }
0x56: {  	_ =	shalt  }
0x57: {  	_ =	shalt  }
0x58: {  	_ =	shalt  }
0x59: {  	_ =	shalt  }
0x5a: {  	_ =	shalt  }
0x5b: {  	_ =	shalt  }
0x5c: {  	_ =	shalt  }
0x5d: {  	_ =	shalt  }
0x5e: {  	_ =	shalt  }
0x5f: {  	_ =	shalt  }
0x60: {  	_ =	shalt  }
0x61: {  	_ =	shalt  }
0x62: {  	_ =	shalt  }
0x63: {  	_ =	shalt  }
0x64: {  	_ =	shalt  }
0x65: {  	_ =	shalt  }
0x66: {  	_ =	shalt  }
0x67: {  	_ =	shalt  }
0x68: {  	_ =	shalt  }
0x69: {  	_ =	shalt  }
0x6a: {  	_ =	shalt  }
0x6b: {  	_ =	shalt  }
0x6c: {  	_ =	shalt  }
0x6d: {  	_ =	shalt  }
0x6e: {  	_ =	shalt  }
0x6f: {  	_ =	shalt  }
0x70: {  	_ =	shalt  }
0x71: {  	_ =	shalt  }
0x72: {  	_ =	shalt  }
0x73: {  	_ =	shalt  }
0x74: {  	_ =	shalt  }
0x75: {  	_ =	shalt  }
0x76: {  	_ =	shalt  }
0x77: {  	_ =	shalt  }
0x78: {  	_ =	shalt  }
0x79: {  	_ =	shalt  }
0x7a: {  	_ =	shalt  }
0x7b: {  	_ =	shalt  }
0x7c: {  	_ =	shalt  }
0x7d: {  	_ =	shalt  }
0x7e: {  	_ =	shalt  }
0x7f: {  	_ =	shalt  }
0x80: {  	_ =	shalt  }
0x81: {  	_ =	shalt  }
0x82: {  	_ =	shalt  }
0x83: {  	_ =	shalt  }
0x84: {  	_ =	shalt  }
0x85: {  	_ =	shalt  }
0x86: {  	_ =	shalt  }
0x87: {  	_ =	shalt  }
.Lfunc_end0:
.L_simem_size_0:
called_computation_lowered:
.L_overlay_start_0:
0x88: {  	s2 =	sld [smem:$0x3FD9]  }
0x89: {  	s3 =	sld [smem:$0x3FFE];
	_ =	sdelay $0x1  }
0x8a: {  	s1 =	srdreg.scid  }
0x8b: {  	s0 =	sand.u32 $0x1, s1  }
0x8c: {  	s15 =	sshll.u32 s0, $0xA;
	s2 =	sadd.s32 s3, s2  }
0x8d: {  	s2 =	sadd.s32 s2, s15  }
0x8e: {  	[smem:$0x3FC7] =	sst s2  }
0x8f: {  	_ = 	snop  }
0x90: {  	s2 =	sld [smem:$0x3FD0];
	_ =	sdelay $0x2  }
0x91: {  	s4 =	simm.s32 $0xA;
	s5 =	simm.s32 $0x10;
	s16 =	sld [smem:$0x3FC9]  }
0x92: {  	[smem:s5], [sflag:s4] =	dma.local [hbm:s2], $0x1  }
0x93: {  	_ =	swait.eq [sflag:s4], $0x1  }
0x94: {  	[sflag:s4] =	ssyncset.done $0x0  }
0x95: {  	[sflag:s4] =	ssyncadd.s32 $0xFFFFFFFF  }
0x96: {  	s17 =	sld [smem:$0x10];
	(tm) =	ssettm $0x1  }
0x97: {  	s18 =	sld [smem:$0x3FFB];
	_ =	sdelay $0x3  }
0x98: {  	_ =	strace s18  }
0x99: {  	s4 =	sld [smem:$0x3FFC];
	_ =	sdelay $0x3  }
0x9a: {  	_ =	strace s4  }
0x9b: {  	s4 =	sld [smem:$0x3FFD];
	_ =	sdelay $0x3  }
0x9c: {  	_ =	strace s4  }
0x9d: {  	_ =	strace $0x8FFFFFFF  }
0x9e: {  	s19 =	sld [smem:$0x3FDB];
	_ =	sdelay $0x1  }
0x9f: {  	s20 =	simm.s32 $_scs_section_size  }
0xa0: {  	s6 =	simm.s32 $_size__tile_overlayer_lowered;
	s7 =	simm.s32 $_tile_overlayer_lowered  }
0xa1: {  	s23 =	simm.s32 $0x1BFF;
	s22 =	sshll.u32 s7, $0x1;
	s4 =	sadd.s32 s20, s19  }
0xa2: {  	s8 =	simm.s32 $0x0;
	s21 =	sshll.u32 s6, $0x1;
	s6 =	sadd.s32 s22, s4  }
0xa3: {  	[timem:s8], [sflag:s23] =	dma.local [hbm:s6], s21  }
0xa4: {  	_ =	swait.ge [sflag:s23], s21  }
0xa5: {  	s5 =	ssub.s32 $0x0, s21;
	[sflag:s23] =	ssyncset.done $0x0  }
0xa6: {  	[sflag:s23] =	ssyncadd.s32 s5;
	_ =	sdelay $0x1  }
0xa7: {  	s24 =	simm.s32 $0x1B8B  }
0xa8: {  	_ =	swait.ge [sflag:s24], $0x1  }
0xa9: {  	[sflag:s24] =	ssyncset.done $0x0  }
0xaa: {  	s25 =	simm.s32 $0x1B8E;
	[sflag:s24] =	ssyncadd.s32 $0xFFFFFFFF  }
0xab: {  	s26 =	simm.s32 $execute0_lowered;
	[smem:$0x3FD2] =	sst s25  }
0xac: {  	s5 =	sshll.u32 s26, $0x1;
	_ =	strace $0x80000046;
	[dreg:$0x1] =	wrdreg $0xFFFFFFFF  }
0xad: {  	s28 =	simm.s32 $_size_execute0_lowered;
	s4 =	sadd.s32 s4, s5;
	[dreg:$0x0] =	wrdreg $0x0  }
0xae: {  	s5 =	sshll.u32 s28, $0x1;
	[dreg:$0x2] =	wrdreg s4  }
0xaf: {  	[dreg:$0x3] =	wrdreg s5  }
0xb0: {  	[dreg:$0x4] =	wrdreg $0xC0  }
0xb1: {  	_ =	task [dreg:s8], $0x5FFFF  }
0xb2: {  	[dreg:$0x1] =	wrdreg $0xFFFFFFFF  }
0xb3: {  	[dreg:$0x0] =	wrdreg $0x60  }
0xb4: {  	[dreg:$0x2] =	wrdreg s16  }
0xb5: {  	[dreg:$0x3] =	wrdreg s17  }
0xb6: {  	[dreg:$0x4] =	wrdreg $0x80800  }
0xb7: {  	[dreg:$0x5] =	wrdreg $0x9  }
0xb8: {  	_ =	task.clear_ibuf [dreg:s8], $0x6FFFF;
	_ =	strace $0x90000046  }
0xb9: {  	s29 =	simm.s32 $0x9;
	_ =	strace $0x80000048  }
0xba: {  	_ =	swait.ge [sflag:s29], $0x1  }
0xbb: {  	[sflag:s29] =	ssyncadd.s32 $0xFFFFFFFF  }
0xbc: {  	_ =	strace $0x90000048  }
0xbd: {  	_ =	sfence  }
0xbe: {  	s30 =	sld [smem:$0x0];
	_ =	sdelay $0x2  }
0xbf: {  	s31 =	sshll.u32 s1, $0xD;
	s1 =	sshrl.u32 s1, $0x2  }
0xc0: {  	s3 =	sand.u32 $0x4000, s31;
	s1 =	sadd.s32 s1, s30  }
0xc1: {  	s0 =	sor.u32 s3, s0;
	s1 =	sshll.u32 s1, $0x11  }
0xc2: {  	s0 =	sor.u32 s1, s0  }
0xc3: {  	s0 =	sadd.s32 $0x8F2B, s0  }
0xc4: {  	[sflag:s0] =	ssyncadd.remote.s32 $0x1  }
0xc5: {  	_ =	sfence.sel $0xFFFF  }
0xc6: {  	[dreg:$0x0] =	wrdreg $0xFFFFFFFF;
	(pc) =	sbr.abs _section_cstart, $3  }
0xc7: {  	[dreg:$0x1] =	wrdreg $0xFFFFFFFF  }
0xc8: {  	_ =	task.clear_ibuf [dreg:s8], $0x2FFFF;
	_ =	strace $0x9FFFFFFF  }
0xc9: {  	(tm) =	ssettm $0x7FFFFFFF  }
tec
execute0_lowered:
.L_overlay_start_1:
0x0: {  	(tag) =	ssettag $0x1  }
0x1: {  	v0 =	vimm.s32 $0xEFCDAB89;
	v1 =	vimm.s32 $0x67452301  }
0x2: {  	s3 =	rddreg [dreg:$0x0];
	v0 =	vunpack.c.l.s4.s8 v0;
	v1 =	vunpack.c.l.s4.s8 v1  }
0x3: {  	s8 =	rddreg [dreg:$0x1]  }
0x4: {  	s9 =	rddreg [dreg:$0x2];
	s2 =	srdreg.scid;
	v0 =	vunpack.c.0.s8.s32 v0;
	v1 =	vunpack.c.0.s8.s32 v1  }
0x5: {  	s0 =	rddreg [dreg:$0x3];
	s1 =	stileid.u32;
	v2 =	vimm.s32 $0x54761032;
	v3 =	vimm.s32 $0xBA98FEDC;
	v4 =	vimm.s32 $0x32107654;
	s14 =	simm.s32 $0x4  }
0x6: {  	v5 =	vimm.s32 $0xFEDCBA98;
	s15 =	simm.s32 $0x8000;
	s16 =	simm.s32 $0x5;
	s17 =	simm.s32 $0x8090;
	v0 =	vcombine.low v1, v0;
	v1 =	vimm.s32 $0xDCFE98BA  }
0x7: {  	v6 =	vimm.s32 $0x76543210;
	s18 =	simm.s32 $0x0;
	s10 =	sand.u32 $0x1, s2;
	s2 =	simm.s32 $0x0;
	v2 =	vunpack.c.l.s4.s8 v2;
	v1 =	vunpack.c.l.s4.s8 v1  }
0x8: {  	s5 =	sshll.u32 s1, $0x11;
	v3 =	vunpack.c.l.s4.s8 v3;
	v4 =	vunpack.c.l.s4.s8 v4;
	v5 =	vunpack.c.l.s4.s8 v5;
	s12 =	sshll.u32 s1, $0x6;
	s31 =	sshll.u32 s1, $0x1  }
0x9: {  	v6 =	vunpack.c.l.s4.s8 v6;
	p0 =	sgt.u32 s1, $0x3;
	s4 =	sshll.u32 s10, $0x15;
	[smem:$0x7FF] =	sst s2;
	v2 =	vunpack.c.0.s8.s32 v2;
	v1 =	vunpack.c.0.s8.s32 v1  }
0xa: {  	s6 =	ssub.s32 $0x2, s10;
	s13 =	sshrl.u32 s12, $0x2;
	s4 =	sor.u32 s5, s4;
	v3 =	vunpack.c.0.s8.s32 v3;
	v4 =	vunpack.c.0.s8.s32 v4;
	v5 =	vunpack.c.0.s8.s32 v5  }
0xb: {  	s12 =	sand.u32 $0xC0, s12;
	s10 =	sshll.u32 s10, $0x3;
	s7 =	sadd.s32 s4, s3;
	v2 =	vcombine.low v2, v1;
	v1 =	vunpack.c.0.s8.s32 v6  }
0xc: {  	vm0 =	vcmask $0x310;
	_ =	strace $0x80000047;
	s30 =	sshrl.u32 s6, $0x1;
	s3 =	sadd.s32 $0x6070, s7;
	v3 =	vcombine.low v4, v3;
	v4 =	vand.u32 $0xF, v5  }
0xd: {  	s11 =	ssub.s32 s6, s30;
	s4 =	sadd.s32 $0xE070, s7;
	s5 =	sadd.s32 $0x16070, s7;
	v5 =	vimm.s32 $0x3210FEDC;
	v1 =	vcombine.low v4, v1;
	v4 =	vimm.s32 $0xBA987654  }
0xe: {  	vm1 =	vcmask $0x710;
	s6 =	sadd.s32 $0x1E070, s7;
	s7 =	sadd.s32 s13, s9;
	s13 =	sadd.s32 s8, s31;
	v5 =	vunpack.c.l.s4.s8 v5;
	v4 =	vunpack.c.l.s4.s8 v4  }
0xf: {  	vm2 =	vcmask $0xB10;
	s8 =	sadd.s32 s12, s9;
	s12 =	simm.s32 $0x2;
	s9 =	sadd.s32 s10, s13;
	v0 =	vand.u32 $0xF, v0;
	v3 =	vand.u32 $0xF, v3  }
0x10: {  	s10 =	smax.u32 s11, $0x1;
	s11 =	simm.s32 $0x1;
	s13 =	simm.s32 $0x3;
	v5 =	vunpack.c.0.s8.s32 v5;
	v2 =	vand.u32 $0xF, v2;
	v4 =	vunpack.c.0.s8.s32 v4  }
.LBB2_1:
0x11: {  	s19 =	simm.s32 $0x80  }
0x12: {  	s22 =	sadd.s32 $0x0, s3;
	s20 =	simm.s32 $0x200;
	s21 =	simm.s32 $0x0  }
.LBB2_2:
0x13: {  	[tilespmem:s21], [sflag:$0x1] =	stream.linear.gather [hbm4b:s22+s2], $0x80, $0x38;
	[tilespmem:$0x8190] =	vst v63  }
0x14: {  	s22 =	smov.u32 s19;
	s21 =	smov.u32 s20;
	p1 =	sne.s32 s19, $0x1F80  }
.Ltmp0:
0x15: {  	s19 =	sadd.s32 $0x80, s19;
	(pc) =	sbr.rel @p1 .LBB2_2-.Ltmp0, $2  }
0x16: {  	_ =	sdelay $0x2  }
0x17: {  	s20 =	sadd.s32 $0x200, s20;
	s22 =	sadd.s32 s22, s3  }
0x18: {  	[tilespmem:s21], [sflag:$0x1] =	stream.linear.gather [hbm4b:s22+s2], $0x80, $0x38;
	[tilespmem:$0x8190] =	vst v63  }
0x19: {  	s19 =	simm.s32 $0x80  }
0x1a: {  	s20 =	simm.s32 $0x80;
	s22 =	sadd.s32 $0x0, s4;
	s21 =	simm.s32 $0x280  }
.LBB2_4:
0x1b: {  	[tilespmem:s19], [sflag:$0x2] =	stream.linear.gather [hbm4b:s22+s2], $0x80, $0x38;
	[tilespmem:$0x8190] =	vst v63  }
0x1c: {  	s22 =	smov.u32 s20;
	s19 =	smov.u32 s21;
	p1 =	sne.s32 s20, $0x1F80  }
.Ltmp1:
0x1d: {  	s20 =	sadd.s32 $0x80, s20;
	(pc) =	sbr.rel @p1 .LBB2_4-.Ltmp1, $2  }
0x1e: {  	_ =	sdelay $0x2  }
0x1f: {  	s21 =	sadd.s32 $0x200, s21;
	s22 =	sadd.s32 s22, s4  }
0x20: {  	[tilespmem:s19], [sflag:$0x2] =	stream.linear.gather [hbm4b:s22+s2], $0x80, $0x38;
	[tilespmem:$0x8190] =	vst v63  }
0x21: {  	s19 =	simm.s32 $0x100  }
0x22: {  	s20 =	simm.s32 $0x80;
	s22 =	sadd.s32 $0x0, s5;
	s21 =	simm.s32 $0x300  }
.LBB2_6:
0x23: {  	[tilespmem:s19], [sflag:$0x3] =	stream.linear.gather [hbm4b:s22+s2], $0x80, $0x38;
	[tilespmem:$0x8190] =	vst v63  }
0x24: {  	s22 =	smov.u32 s20;
	s19 =	smov.u32 s21;
	p1 =	sne.s32 s20, $0x1F80  }
.Ltmp2:
0x25: {  	s20 =	sadd.s32 $0x80, s20;
	(pc) =	sbr.rel @p1 .LBB2_6-.Ltmp2, $2  }
0x26: {  	_ =	sdelay $0x2  }
0x27: {  	s21 =	sadd.s32 $0x200, s21;
	s22 =	sadd.s32 s22, s5  }
0x28: {  	[tilespmem:s19], [sflag:$0x3] =	stream.linear.gather [hbm4b:s22+s2], $0x80, $0x38;
	[tilespmem:$0x8190] =	vst v63  }
0x29: {  	s19 =	simm.s32 $0x180  }
0x2a: {  	s20 =	simm.s32 $0x80;
	s22 =	sadd.s32 $0x0, s6;
	s21 =	simm.s32 $0x380  }
.LBB2_8:
0x2b: {  	[tilespmem:s19], [sflag:$0x4] =	stream.linear.gather [hbm4b:s22+s2], $0x80, $0x38;
	[tilespmem:$0x8190] =	vst v63  }
0x2c: {  	s22 =	smov.u32 s20;
	s19 =	smov.u32 s21;
	p1 =	sne.s32 s20, $0x1F80  }
.Ltmp3:
0x2d: {  	s20 =	sadd.s32 $0x80, s20;
	(pc) =	sbr.rel @p1 .LBB2_8-.Ltmp3, $2  }
0x2e: {  	_ =	sdelay $0x2  }
0x2f: {  	s21 =	sadd.s32 $0x200, s21;
	s22 =	sadd.s32 s22, s6  }
0x30: {  	[tilespmem:s19], [sflag:$0x4] =	stream.linear.gather [hbm4b:s22+s2], $0x80, $0x38;
	[tilespmem:$0x8190] =	vst v63  }
0x31: {  	_ =	swait.ge [sflag:s11], $0x2000  }
0x32: {  	[sflag:s11] =	ssyncset.done $0x0  }
0x33: {  	s20 =	simm.s32 $0x40;
	[sflag:s11] =	ssyncadd.s32 $0xFFFFE000  }
0x34: {  	v12 =	vld [tilespmem:s20+$0xFFFFFFC0]  }
0x35: {  	v15 =	vld [tilespmem:s20+$0x0]  }
0x36: {  	v17 =	vld [tilespmem:s20+$0xFFFFFFD0]  }
0x37: {  	v9 =	vlaneseq.u32;
	v10 =	vimm.f32 $-Inf;
	v19 =	vld [tilespmem:s20+$0xFFFFFFE0]  }
0x38: {  	v13 =	vimm.s32 $0x0;
	v23 =	vimm.f32 $-Inf;
	v22 =	vimm.s32 $0x0;
	v11 =	vld [tilespmem:s20+$0xFFFFFFF0]  }
0x39: {  	v8 =	vor.u32 $0x10, v9;
	v7 =	vor.u32 $0x20, v9;
	v6 =	vor.u32 $0x30, v9;
	v18 =	vld [tilespmem:s20+$0x10]  }
0x3a: {  	v21 =	vadd.s32 $0x40, v9;
	v26 =	vadd.s32 $0x40, v8;
	v24 =	vld [tilespmem:s20+$0x20];
	vm3 =	vgt.f32 v12, v10  }
0x3b: {  	v20 =	vadd.s32 $0x40, v7;
	v14 =	vadd.s32 $0x40, v6;
	v25 =	vld [tilespmem:s20+$0x30];
	v12 =	vsel vm3, v12, v10  }
0x3c: {  	vm5 =	vgt.f32 v17, v10;
	v16 =	vsel vm3, v9, v13;
	vm3 =	vgt.f32 v15, v12  }
0x3d: {  	vm4 =	vgt.f32 v19, v10;
	v15 =	vsel vm3, v15, v12;
	v16 =	vsel vm3, v21, v16  }
0x3e: {  	s19 =	simm.s32 $0x0;
	s20 =	simm.s32 $0x240;
	vm3 =	vgt.f32 v11, v10;
	v21 =	vimm.f32 $-Inf;
	v12 =	vimm.s32 $0x0  }
.LBB2_10:
0x3f: {  	v27 =	vld [tilespmem:s20+$0x0];
	v10 =	vsel vm5, v17, v10;
	v17 =	vsel vm4, v19, v23;
	v11 =	vsel vm3, v11, v21  }
0x40: {  	v28 =	vld [tilespmem:s20+$0xFFFFFFC0];
	vm6 =	vgt.f32 v18, v10;
	vm7 =	vgt.f32 v24, v17;
	vm8 =	vgt.f32 v25, v11  }
0x41: {  	v10 =	vsel vm6, v18, v10;
	v18 =	vld [tilespmem:s20+$0x10];
	v23 =	vsel vm7, v24, v17;
	v21 =	vsel vm8, v25, v11  }
0x42: {  	v22 =	vsel vm4, v7, v22;
	v12 =	vsel vm3, v6, v12;
	v11 =	vsel vm5, v8, v13;
	v17 =	vld [tilespmem:s20+$0xFFFFFFD0]  }
0x43: {  	s19 =	sadd.s32 $0x2, s19;
	v22 =	vsel vm7, v20, v22;
	v12 =	vsel vm8, v14, v12;
	v13 =	vsel vm6, v26, v11;
	v19 =	vld [tilespmem:s20+$0xFFFFFFE0]  }
0x44: {  	v9 =	vadd.s32 $0x80, v9;
	p1 =	slt.u32 s19, $0x7E;
	v8 =	vadd.s32 $0x80, v8;
	v11 =	vld [tilespmem:s20+$0xFFFFFFF0]  }
.Ltmp4:
0x45: {  	v7 =	vadd.s32 $0x80, v7;
	v6 =	vadd.s32 $0x80, v6;
	vm3 =	vgt.f32 v28, v15;
	v24 =	vld [tilespmem:s20+$0x20];
	(pc) =	sbr.rel @p1 .LBB2_10-.Ltmp4, $4  }
0x46: {  	v15 =	vsel vm3, v28, v15;
	v16 =	vsel vm3, v9, v16;
	v28 =	vadd.s32 $0x40, v9;
	v25 =	vld [tilespmem:s20+$0x30]  }
0x47: {  	v20 =	vadd.s32 $0x40, v7;
	v26 =	vadd.s32 $0x40, v8;
	vm3 =	vgt.f32 v27, v15  }
0x48: {  	v14 =	vadd.s32 $0x40, v6;
	v15 =	vsel vm3, v27, v15;
	v16 =	vsel vm3, v28, v16  }
0x49: {  	s20 =	sadd.s32 $0x200, s20;
	vm5 =	vgt.f32 v17, v10;
	vm4 =	vgt.f32 v19, v23;
	vm3 =	vgt.f32 v11, v21  }
0x4a: {  	v9 =	vsel vm5, v17, v10  }
0x4b: {  	v8 =	vsel vm5, v8, v13;
	vm6 =	vgt.f32 v18, v9  }
0x4c: {  	v9 =	vsel vm6, v18, v9;
	v8 =	vsel vm6, v26, v8  }
0x4d: {  	v10 =	vsel vm4, v19, v23;
	vm5 =	veq.f32 v9, v15;
	vm6 =	vlt.s32 v8, v16  }
0x4e: {  	vm7 =	vgt.f32 v24, v10;
	vm8 =	vgt.f32 v9, v15;
	vm5 =	vmand vm5, vm6  }
0x4f: {  	v7 =	vsel vm4, v7, v22;
	v10 =	vsel vm7, v24, v10;
	vm4 =	vmor vm8, vm5  }
0x50: {  	v7 =	vsel vm7, v20, v7;
	v9 =	vsel vm4, v9, v15;
	v8 =	vsel vm4, v8, v16  }
0x51: {  	v11 =	vsel vm3, v11, v21;
	vm4 =	veq.f32 v10, v9;
	vm5 =	vlt.s32 v7, v8  }
0x52: {  	vm6 =	vgt.f32 v25, v11;
	vm7 =	vgt.f32 v10, v9;
	vm4 =	vmand vm4, vm5  }
0x53: {  	v6 =	vsel vm3, v6, v12;
	v11 =	vsel vm6, v25, v11;
	vm3 =	vmor vm7, vm4  }
0x54: {  	v6 =	vsel vm6, v14, v6;
	v9 =	vsel vm3, v10, v9;
	v7 =	vsel vm3, v7, v8  }
0x55: {  	vm3 =	veq.f32 v11, v9;
	vm4 =	vlt.s32 v6, v7  }
0x56: {  	vm5 =	vgt.f32 v11, v9;
	vm3 =	vmand vm3, vm4  }
0x57: {  	vm3 =	vmor vm5, vm3  }
0x58: {  	v8 =	vsel vm3, v11, v9;
	v6 =	vsel vm3, v6, v7  }
0x59: {  	v7 =	vperm.xlane v8, v0;
	v9 =	vperm.xlane v6, v0;
	_ =	sdelay $0x1  }
0x5a: {  	vm3 =	veq.f32 v7, v8;
	vm4 =	vlt.s32 v9, v6  }
0x5b: {  	vm5 =	vgt.f32 v7, v8;
	vm3 =	vmand vm3, vm4  }
0x5c: {  	vm3 =	vmor vm5, vm3  }
0x5d: {  	v7 =	vsel vm3, v7, v8;
	v6 =	vsel vm3, v9, v6  }
0x5e: {  	v8 =	vperm.xlane v7, v2;
	v9 =	vperm.xlane v6, v2;
	_ =	sdelay $0x1  }
0x5f: {  	_ =	swait.ge [sflag:s12], $0x2000;
	vm3 =	veq.f32 v8, v7;
	vm4 =	vlt.s32 v9, v6  }
0x60: {  	v13 =	vlaneseq.u32;
	[sflag:s12] =	ssyncset.done $0x0;
	vm5 =	vgt.f32 v8, v7;
	vm3 =	vmand vm3, vm4  }
0x61: {  	s20 =	simm.s32 $0xF0;
	v17 =	vimm.s32 $0x0;
	v27 =	vimm.f32 $-Inf;
	[sflag:s12] =	ssyncadd.s32 $0xFFFFE000;
	vm3 =	vmor vm5, vm3  }
0x62: {  	v12 =	vor.u32 $0x10, v13;
	v19 =	vld [tilespmem:s20+$0xFFFFFFA0];
	v7 =	vsel vm3, v8, v7;
	v6 =	vsel vm3, v9, v6  }
0x63: {  	v30 =	vadd.s32 $0x40, v12;
	v16 =	vld [tilespmem:s20+$0xFFFFFF90];
	v8 =	vperm.xlane v7, v3;
	v9 =	vperm.xlane v6, v3  }
0x64: {  	v26 =	vimm.s32 $0x0;
	v23 =	vld [tilespmem:s20+$0xFFFFFFB0];
	v14 =	vimm.f32 $-Inf;
	v25 =	vadd.s32 $0x40, v13  }
0x65: {  	v20 =	vld [tilespmem:s20+$0xFFFFFFD0];
	v10 =	vor.u32 $0x30, v13;
	vm3 =	veq.f32 v8, v7;
	vm4 =	vlt.s32 v9, v6  }
0x66: {  	v22 =	vld [tilespmem:s20+$0xFFFFFFE0];
	v11 =	vor.u32 $0x20, v13;
	vm5 =	vgt.f32 v8, v7;
	vm3 =	vmand vm3, vm4  }
0x67: {  	v15 =	vld [tilespmem:s20+$0xFFFFFFC0];
	v18 =	vadd.s32 $0x40, v10;
	v24 =	vadd.s32 $0x40, v11;
	vm3 =	vmor vm5, vm3  }
0x68: {  	v28 =	vld [tilespmem:s20+$0xFFFFFFF0];
	v8 =	vsel vm3, v8, v7;
	v6 =	vsel vm3, v9, v6;
	vm3 =	vgt.f32 v16, v14  }
0x69: {  	v29 =	vld [tilespmem:s20+$0x0];
	vm4 =	vgt.f32 v23, v14;
	vm5 =	vgt.f32 v19, v14;
	v16 =	vsel vm3, v16, v14  }
0x6a: {  	v9 =	vperm.xlane v8, v1;
	v21 =	vsel vm3, v13, v17;
	vm3 =	vgt.f32 v20, v16  }
0x6b: {  	v7 =	vperm.xlane v6, v1;
	v20 =	vsel vm3, v20, v16;
	v21 =	vsel vm3, v25, v21  }
0x6c: {  	s19 =	simm.s32 $0x0;
	s20 =	simm.s32 $0x2F0;
	vm3 =	vgt.f32 v15, v14;
	v25 =	vimm.f32 $-Inf;
	v16 =	vimm.s32 $0x0  }
.LBB2_12:
0x6d: {  	v31 =	vld [tilespmem:s20+$0xFFFFFFD0];
	v14 =	vsel vm5, v19, v14;
	v19 =	vsel vm4, v23, v27;
	v15 =	vsel vm3, v15, v25  }
0x6e: {  	v32 =	vld [tilespmem:s20+$0xFFFFFF90];
	vm6 =	vgt.f32 v22, v14;
	vm7 =	vgt.f32 v28, v19;
	vm8 =	vgt.f32 v29, v15  }
0x6f: {  	v14 =	vsel vm6, v22, v14;
	v22 =	vld [tilespmem:s20+$0xFFFFFFE0];
	v27 =	vsel vm7, v28, v19;
	v25 =	vsel vm8, v29, v15  }
0x70: {  	v26 =	vsel vm4, v11, v26;
	v16 =	vsel vm3, v10, v16;
	v15 =	vsel vm5, v12, v17;
	v19 =	vld [tilespmem:s20+$0xFFFFFFA0]  }
0x71: {  	s19 =	sadd.s32 $0x2, s19;
	v26 =	vsel vm7, v24, v26;
	v16 =	vsel vm8, v18, v16;
	v17 =	vsel vm6, v30, v15;
	v23 =	vld [tilespmem:s20+$0xFFFFFFB0]  }
0x72: {  	v13 =	vadd.s32 $0x80, v13;
	p1 =	slt.u32 s19, $0x7E;
	v12 =	vadd.s32 $0x80, v12;
	v15 =	vld [tilespmem:s20+$0xFFFFFFC0]  }
.Ltmp5:
0x73: {  	v11 =	vadd.s32 $0x80, v11;
	v10 =	vadd.s32 $0x80, v10;
	vm3 =	vgt.f32 v32, v20;
	v28 =	vld [tilespmem:s20+$0xFFFFFFF0];
	(pc) =	sbr.rel @p1 .LBB2_12-.Ltmp5, $4  }
0x74: {  	v20 =	vsel vm3, v32, v20;
	v21 =	vsel vm3, v13, v21;
	v32 =	vadd.s32 $0x40, v13;
	v29 =	vld [tilespmem:s20+$0x0]  }
0x75: {  	v24 =	vadd.s32 $0x40, v11;
	v30 =	vadd.s32 $0x40, v12;
	vm3 =	vgt.f32 v31, v20  }
0x76: {  	v18 =	vadd.s32 $0x40, v10;
	v20 =	vsel vm3, v31, v20;
	v21 =	vsel vm3, v32, v21  }
0x77: {  	s20 =	sadd.s32 $0x200, s20;
	vm5 =	vgt.f32 v19, v14;
	vm4 =	vgt.f32 v23, v27;
	vm3 =	vgt.f32 v15, v25  }
0x78: {  	v13 =	vsel vm5, v19, v14  }
0x79: {  	v12 =	vsel vm5, v12, v17;
	vm6 =	vgt.f32 v22, v13  }
0x7a: {  	v13 =	vsel vm6, v22, v13;
	v12 =	vsel vm6, v30, v12  }
0x7b: {  	v14 =	vsel vm4, v23, v27;
	vm5 =	veq.f32 v13, v20;
	vm6 =	vlt.s32 v12, v21  }
0x7c: {  	vm7 =	vgt.f32 v28, v14;
	vm8 =	vgt.f32 v13, v20;
	vm5 =	vmand vm5, vm6  }
0x7d: {  	v11 =	vsel vm4, v11, v26;
	v14 =	vsel vm7, v28, v14;
	vm4 =	vmor vm8, vm5  }
0x7e: {  	v11 =	vsel vm7, v24, v11;
	v13 =	vsel vm4, v13, v20;
	v12 =	vsel vm4, v12, v21  }
0x7f: {  	v15 =	vsel vm3, v15, v25;
	vm4 =	veq.f32 v14, v13;
	vm5 =	vlt.s32 v11, v12  }
0x80: {  	vm6 =	vgt.f32 v29, v15;
	vm7 =	vgt.f32 v14, v13;
	vm4 =	vmand vm4, vm5  }
0x81: {  	v10 =	vsel vm3, v10, v16;
	v15 =	vsel vm6, v29, v15;
	vm3 =	vmor vm7, vm4  }
0x82: {  	v10 =	vsel vm6, v18, v10;
	v13 =	vsel vm3, v14, v13;
	v11 =	vsel vm3, v11, v12  }
0x83: {  	vm3 =	veq.f32 v15, v13;
	vm4 =	vlt.s32 v10, v11  }
0x84: {  	vm5 =	vgt.f32 v15, v13;
	vm3 =	vmand vm3, vm4  }
0x85: {  	vm3 =	vmor vm5, vm3  }
0x86: {  	v12 =	vsel vm3, v15, v13;
	v10 =	vsel vm3, v10, v11  }
0x87: {  	v11 =	vperm.xlane v12, v0;
	v13 =	vperm.xlane v10, v0;
	_ =	sdelay $0x1  }
0x88: {  	vm3 =	veq.f32 v11, v12;
	vm4 =	vlt.s32 v13, v10  }
0x89: {  	vm5 =	vgt.f32 v11, v12;
	vm3 =	vmand vm3, vm4  }
0x8a: {  	vm3 =	vmor vm5, vm3  }
0x8b: {  	v11 =	vsel vm3, v11, v12;
	v10 =	vsel vm3, v13, v10  }
0x8c: {  	v12 =	vperm.xlane v11, v2;
	v13 =	vperm.xlane v10, v2;
	_ =	sdelay $0x1  }
0x8d: {  	_ =	swait.ge [sflag:s13], $0x2000;
	vm3 =	veq.f32 v12, v11;
	vm4 =	vlt.s32 v13, v10  }
0x8e: {  	v17 =	vlaneseq.u32;
	[sflag:s13] =	ssyncset.done $0x0;
	vm5 =	vgt.f32 v12, v11;
	vm3 =	vmand vm3, vm4  }
0x8f: {  	s20 =	simm.s32 $0x170;
	v31 =	vimm.f32 $-Inf;
	v16 =	vor.u32 $0x10, v17;
	[sflag:s13] =	ssyncadd.s32 $0xFFFFE000;
	vm3 =	vmor vm5, vm3  }
0x90: {  	v34 =	vadd.s32 $0x40, v16;
	v23 =	vld [tilespmem:s20+$0xFFFFFFA0];
	v11 =	vsel vm3, v12, v11;
	v10 =	vsel vm3, v13, v10  }
0x91: {  	v30 =	vimm.s32 $0x0;
	v20 =	vld [tilespmem:s20+$0xFFFFFF90];
	v12 =	vperm.xlane v11, v3;
	v13 =	vperm.xlane v10, v3  }
0x92: {  	v27 =	vld [tilespmem:s20+$0xFFFFFFB0];
	v18 =	vimm.f32 $-Inf;
	v29 =	vadd.s32 $0x40, v17;
	v21 =	vimm.s32 $0x0  }
0x93: {  	v24 =	vld [tilespmem:s20+$0xFFFFFFD0];
	v14 =	vor.u32 $0x30, v17;
	vm3 =	veq.f32 v12, v11;
	vm4 =	vlt.s32 v13, v10  }
0x94: {  	v19 =	vld [tilespmem:s20+$0xFFFFFFC0];
	v15 =	vor.u32 $0x20, v17;
	vm5 =	vgt.f32 v12, v11;
	vm3 =	vmand vm3, vm4  }
0x95: {  	v26 =	vld [tilespmem:s20+$0xFFFFFFE0];
	v22 =	vadd.s32 $0x40, v14;
	v28 =	vadd.s32 $0x40, v15;
	vm3 =	vmor vm5, vm3  }
0x96: {  	v32 =	vld [tilespmem:s20+$0xFFFFFFF0];
	v12 =	vsel vm3, v12, v11;
	v10 =	vsel vm3, v13, v10;
	vm3 =	vgt.f32 v20, v18  }
0x97: {  	v33 =	vld [tilespmem:s20+$0x0];
	vm4 =	vgt.f32 v27, v18;
	vm5 =	vgt.f32 v23, v18;
	v20 =	vsel vm3, v20, v18  }
0x98: {  	v13 =	vperm.xlane v12, v1;
	v25 =	vsel vm3, v17, v21;
	vm3 =	vgt.f32 v24, v20  }
0x99: {  	v11 =	vperm.xlane v10, v1;
	v24 =	vsel vm3, v24, v20;
	v25 =	vsel vm3, v29, v25  }
0x9a: {  	s19 =	simm.s32 $0x0;
	s20 =	simm.s32 $0x370;
	vm3 =	vgt.f32 v19, v18;
	v29 =	vimm.f32 $-Inf;
	v20 =	vimm.s32 $0x0  }
.LBB2_14:
0x9b: {  	v35 =	vld [tilespmem:s20+$0xFFFFFFD0];
	v18 =	vsel vm5, v23, v18;
	v23 =	vsel vm4, v27, v31;
	v19 =	vsel vm3, v19, v29  }
0x9c: {  	v36 =	vld [tilespmem:s20+$0xFFFFFF90];
	vm6 =	vgt.f32 v26, v18;
	vm7 =	vgt.f32 v32, v23;
	vm8 =	vgt.f32 v33, v19  }
0x9d: {  	v18 =	vsel vm6, v26, v18;
	v26 =	vld [tilespmem:s20+$0xFFFFFFE0];
	v31 =	vsel vm7, v32, v23;
	v29 =	vsel vm8, v33, v19  }
0x9e: {  	v30 =	vsel vm4, v15, v30;
	v20 =	vsel vm3, v14, v20;
	v19 =	vsel vm5, v16, v21;
	v23 =	vld [tilespmem:s20+$0xFFFFFFA0]  }
0x9f: {  	s19 =	sadd.s32 $0x2, s19;
	v30 =	vsel vm7, v28, v30;
	v20 =	vsel vm8, v22, v20;
	v21 =	vsel vm6, v34, v19;
	v27 =	vld [tilespmem:s20+$0xFFFFFFB0]  }
0xa0: {  	v17 =	vadd.s32 $0x80, v17;
	p1 =	slt.u32 s19, $0x7E;
	v16 =	vadd.s32 $0x80, v16;
	v19 =	vld [tilespmem:s20+$0xFFFFFFC0]  }
.Ltmp6:
0xa1: {  	v15 =	vadd.s32 $0x80, v15;
	v14 =	vadd.s32 $0x80, v14;
	vm3 =	vgt.f32 v36, v24;
	v32 =	vld [tilespmem:s20+$0xFFFFFFF0];
	(pc) =	sbr.rel @p1 .LBB2_14-.Ltmp6, $4  }
0xa2: {  	v24 =	vsel vm3, v36, v24;
	v25 =	vsel vm3, v17, v25;
	v36 =	vadd.s32 $0x40, v17;
	v33 =	vld [tilespmem:s20+$0x0]  }
0xa3: {  	v28 =	vadd.s32 $0x40, v15;
	v34 =	vadd.s32 $0x40, v16;
	vm3 =	vgt.f32 v35, v24  }
0xa4: {  	v22 =	vadd.s32 $0x40, v14;
	v24 =	vsel vm3, v35, v24;
	v25 =	vsel vm3, v36, v25  }
0xa5: {  	s20 =	sadd.s32 $0x200, s20;
	vm5 =	vgt.f32 v23, v18;
	vm4 =	vgt.f32 v27, v31;
	vm3 =	vgt.f32 v19, v29  }
0xa6: {  	v17 =	vsel vm5, v23, v18  }
0xa7: {  	v16 =	vsel vm5, v16, v21;
	vm6 =	vgt.f32 v26, v17  }
0xa8: {  	v17 =	vsel vm6, v26, v17;
	v16 =	vsel vm6, v34, v16  }
0xa9: {  	v18 =	vsel vm4, v27, v31;
	vm5 =	veq.f32 v17, v24;
	vm6 =	vlt.s32 v16, v25  }
0xaa: {  	vm7 =	vgt.f32 v32, v18;
	vm8 =	vgt.f32 v17, v24;
	vm5 =	vmand vm5, vm6  }
0xab: {  	v15 =	vsel vm4, v15, v30;
	v18 =	vsel vm7, v32, v18;
	vm4 =	vmor vm8, vm5  }
0xac: {  	v15 =	vsel vm7, v28, v15;
	v17 =	vsel vm4, v17, v24;
	v16 =	vsel vm4, v16, v25  }
0xad: {  	v19 =	vsel vm3, v19, v29;
	vm4 =	veq.f32 v18, v17;
	vm5 =	vlt.s32 v15, v16  }
0xae: {  	vm6 =	vgt.f32 v33, v19;
	vm7 =	vgt.f32 v18, v17;
	vm4 =	vmand vm4, vm5  }
0xaf: {  	v14 =	vsel vm3, v14, v20;
	v19 =	vsel vm6, v33, v19;
	vm3 =	vmor vm7, vm4  }
0xb0: {  	v14 =	vsel vm6, v22, v14;
	v17 =	vsel vm3, v18, v17;
	v15 =	vsel vm3, v15, v16  }
0xb1: {  	vm3 =	veq.f32 v19, v17;
	vm4 =	vlt.s32 v14, v15  }
0xb2: {  	vm5 =	vgt.f32 v19, v17;
	vm3 =	vmand vm3, vm4  }
0xb3: {  	vm3 =	vmor vm5, vm3  }
0xb4: {  	v16 =	vsel vm3, v19, v17;
	v14 =	vsel vm3, v14, v15  }
0xb5: {  	v15 =	vperm.xlane v16, v0;
	v17 =	vperm.xlane v14, v0;
	_ =	sdelay $0x1  }
0xb6: {  	vm3 =	veq.f32 v15, v16;
	vm4 =	vlt.s32 v17, v14  }
0xb7: {  	vm5 =	vgt.f32 v15, v16;
	vm3 =	vmand vm3, vm4  }
0xb8: {  	vm3 =	vmor vm5, vm3  }
0xb9: {  	v15 =	vsel vm3, v15, v16;
	v14 =	vsel vm3, v17, v14  }
0xba: {  	v16 =	vperm.xlane v15, v2;
	v17 =	vperm.xlane v14, v2;
	_ =	sdelay $0x1  }
0xbb: {  	_ =	swait.ge [sflag:s14], $0x2000;
	vm3 =	veq.f32 v16, v15;
	vm4 =	vlt.s32 v17, v14  }
0xbc: {  	v21 =	vlaneseq.u32;
	[sflag:s14] =	ssyncset.done $0x0;
	vm5 =	vgt.f32 v16, v15;
	vm3 =	vmand vm3, vm4  }
0xbd: {  	s20 =	simm.s32 $0x1F0;
	v35 =	vimm.f32 $-Inf;
	v20 =	vor.u32 $0x10, v21;
	[sflag:s14] =	ssyncadd.s32 $0xFFFFE000;
	vm3 =	vmor vm5, vm3  }
0xbe: {  	v63 =	vadd.s32 $0x40, v21;
	v28 =	vld [tilespmem:s20+$0xFFFFFFD0];
	v15 =	vsel vm3, v16, v15;
	v14 =	vsel vm3, v17, v14  }
0xbf: {  	v38 =	vadd.s32 $0x40, v20;
	v24 =	vld [tilespmem:s20+$0xFFFFFF90];
	v16 =	vperm.xlane v15, v3;
	v17 =	vperm.xlane v14, v3  }
0xc0: {  	v34 =	vimm.s32 $0x0;
	v31 =	vld [tilespmem:s20+$0xFFFFFFB0];
	v22 =	vimm.f32 $-Inf;
	v33 =	vimm.f32 $-Inf  }
0xc1: {  	v27 =	vld [tilespmem:s20+$0xFFFFFFA0];
	v25 =	vimm.s32 $0x0;
	vm3 =	veq.f32 v16, v15;
	vm4 =	vlt.s32 v17, v14  }
0xc2: {  	v23 =	vld [tilespmem:s20+$0xFFFFFFC0];
	v18 =	vor.u32 $0x30, v21;
	vm5 =	vgt.f32 v16, v15;
	vm3 =	vmand vm3, vm4  }
0xc3: {  	v30 =	vld [tilespmem:s20+$0xFFFFFFE0];
	v26 =	vadd.s32 $0x40, v18;
	v19 =	vor.u32 $0x20, v21;
	vm3 =	vmor vm5, vm3  }
0xc4: {  	v36 =	vld [tilespmem:s20+$0xFFFFFFF0];
	v16 =	vsel vm3, v16, v15;
	v14 =	vsel vm3, v17, v14;
	vm3 =	vgt.f32 v24, v22  }
0xc5: {  	v37 =	vld [tilespmem:s20+$0x0];
	v32 =	vadd.s32 $0x40, v19;
	vm4 =	vgt.f32 v31, v22;
	v24 =	vsel vm3, v24, v22  }
0xc6: {  	vm5 =	vgt.f32 v27, v22;
	v29 =	vsel vm3, v21, v25;
	vm3 =	vgt.f32 v28, v24  }
0xc7: {  	v17 =	vperm.xlane v16, v1;
	v15 =	vperm.xlane v14, v1;
	v28 =	vsel vm3, v28, v24  }
0xc8: {  	s19 =	simm.s32 $0x0;
	s20 =	simm.s32 $0x3F0;
	v29 =	vsel vm3, v63, v29;
	vm3 =	vgt.f32 v23, v22;
	v24 =	vimm.s32 $0x0  }
.LBB2_16:
0xc9: {  	v39 =	vld [tilespmem:s20+$0xFFFFFFD0];
	v22 =	vsel vm5, v27, v22;
	v27 =	vsel vm4, v31, v35;
	v23 =	vsel vm3, v23, v33  }
0xca: {  	v40 =	vld [tilespmem:s20+$0xFFFFFF90];
	vm6 =	vgt.f32 v30, v22;
	vm7 =	vgt.f32 v36, v27;
	vm8 =	vgt.f32 v37, v23  }
0xcb: {  	v22 =	vsel vm6, v30, v22;
	v30 =	vld [tilespmem:s20+$0xFFFFFFE0];
	v35 =	vsel vm7, v36, v27;
	v33 =	vsel vm8, v37, v23  }
0xcc: {  	v34 =	vsel vm4, v19, v34;
	v24 =	vsel vm3, v18, v24;
	v23 =	vsel vm5, v20, v25;
	v27 =	vld [tilespmem:s20+$0xFFFFFFA0]  }
0xcd: {  	s19 =	sadd.s32 $0x2, s19;
	v34 =	vsel vm7, v32, v34;
	v24 =	vsel vm8, v26, v24;
	v25 =	vsel vm6, v38, v23;
	v31 =	vld [tilespmem:s20+$0xFFFFFFB0]  }
0xce: {  	v21 =	vadd.s32 $0x80, v21;
	p1 =	slt.u32 s19, $0x7E;
	v20 =	vadd.s32 $0x80, v20;
	v23 =	vld [tilespmem:s20+$0xFFFFFFC0]  }
.Ltmp7:
0xcf: {  	v19 =	vadd.s32 $0x80, v19;
	v18 =	vadd.s32 $0x80, v18;
	vm3 =	vgt.f32 v40, v28;
	v36 =	vld [tilespmem:s20+$0xFFFFFFF0];
	(pc) =	sbr.rel @p1 .LBB2_16-.Ltmp7, $4  }
0xd0: {  	v28 =	vsel vm3, v40, v28;
	v29 =	vsel vm3, v21, v29;
	v40 =	vadd.s32 $0x40, v21;
	v37 =	vld [tilespmem:s20+$0x0]  }
0xd1: {  	v32 =	vadd.s32 $0x40, v19;
	v38 =	vadd.s32 $0x40, v20;
	vm3 =	vgt.f32 v39, v28  }
0xd2: {  	v26 =	vadd.s32 $0x40, v18;
	v28 =	vsel vm3, v39, v28;
	v29 =	vsel vm3, v40, v29  }
0xd3: {  	s20 =	sadd.s32 $0x200, s20;
	vm5 =	vgt.f32 v27, v22;
	vm4 =	vgt.f32 v31, v35;
	vm3 =	vgt.f32 v23, v33  }
0xd4: {  	v21 =	vsel vm5, v27, v22  }
0xd5: {  	v20 =	vsel vm5, v20, v25;
	vm6 =	vgt.f32 v30, v21  }
0xd6: {  	v21 =	vsel vm6, v30, v21;
	v20 =	vsel vm6, v38, v20  }
0xd7: {  	v51 =	vsel vm4, v31, v35;
	vm15 =	veq.f32 v21, v28;
	vm6 =	vlt.s32 v20, v29  }
0xd8: {  	vm7 =	vgt.f32 v36, v51;
	vm8 =	vgt.f32 v21, v28;
	vm5 =	vmand vm15, vm6  }
0xd9: {  	v19 =	vsel vm4, v19, v34;
	v22 =	vsel vm7, v36, v51;
	vm12 =	vmor vm8, vm5  }
0xda: {  	v19 =	vsel vm7, v32, v19;
	v21 =	vsel vm12, v21, v28;
	v20 =	vsel vm12, v20, v29  }
0xdb: {  	v23 =	vsel vm3, v23, v33;
	vm13 =	veq.f32 v22, v21;
	vm14 =	vlt.s32 v19, v20  }
0xdc: {  	vm15 =	vgt.f32 v37, v23;
	vm9 =	vgt.f32 v22, v21;
	vm4 =	vmand vm13, vm14  }
0xdd: {  	v18 =	vsel vm3, v18, v24;
	v23 =	vsel vm15, v37, v23;
	vm3 =	vmor vm9, vm4  }
0xde: {  	v18 =	vsel vm15, v26, v18;
	v21 =	vsel vm3, v22, v21;
	v19 =	vsel vm3, v19, v20  }
0xdf: {  	vm3 =	veq.f32 v23, v21;
	vm10 =	vlt.s32 v18, v19  }
0xe0: {  	vm11 =	vgt.f32 v23, v21;
	vm3 =	vmand vm3, vm10  }
0xe1: {  	vm3 =	vmor vm11, vm3  }
0xe2: {  	v52 =	vsel vm3, v23, v21;
	v18 =	vsel vm3, v18, v19  }
0xe3: {  	v53 =	vperm.xlane v52, v0;
	v54 =	vperm.xlane v18, v0;
	_ =	sdelay $0x1  }
0xe4: {  	vm3 =	veq.f32 v53, v52;
	vm12 =	vlt.s32 v54, v18  }
0xe5: {  	vm13 =	vgt.f32 v53, v52;
	vm3 =	vmand vm3, vm12  }
0xe6: {  	vm3 =	vmor vm13, vm3  }
0xe7: {  	v19 =	vsel vm3, v53, v52;
	v18 =	vsel vm3, v54, v18  }
0xe8: {  	v20 =	vperm.xlane v19, v2;
	v21 =	vperm.xlane v18, v2  }
0xe9: {  	vm15 =	vlt.s32 v7, v6;
	vm14 =	veq.f32 v9, v8  }
0xea: {  	vm4 =	vmand vm14, vm15;
	vm9 =	veq.f32 v20, v19;
	vm10 =	vlt.s32 v21, v18  }
0xeb: {  	vm3 =	vgt.f32 v9, v8;
	vm11 =	vgt.f32 v20, v19;
	vm6 =	vmand vm9, vm10  }
0xec: {  	vm3 =	vmor vm3, vm4;
	vm12 =	vmor vm11, vm6  }
0xed: {  	v6 =	vsel vm3, v7, v6;
	v7 =	vsel vm12, v20, v19;
	v55 =	vsel vm12, v21, v18  }
0xee: {  	v56 =	vperm.xlane v7, v3;
	v18 =	vperm.xlane v55, v3  }
0xef: {  	vm15 =	vlt.s32 v11, v10;
	vm3 =	vmmov $0x1  }
0xf0: {  	v6 =	vnsel vm3, $0x0, v6;
	vm13 =	veq.f32 v56, v7;
	vm14 =	vlt.s32 v18, v55  }
0xf1: {  	vm3 =	veq.f32 v13, v12;
	vm9 =	vgt.f32 v56, v7;
	vm4 =	vmand vm13, vm14  }
0xf2: {  	vm10 =	vgt.f32 v13, v12;
	vm3 =	vmand vm3, vm15;
	vm4 =	vmor vm9, vm4  }
0xf3: {  	vm3 =	vmor vm10, vm3;
	v7 =	vsel vm4, v56, v7;
	v8 =	vsel vm4, v18, v55  }
0xf4: {  	vm11 =	veq.f32 v17, v16;
	v58 =	vperm.xlane v7, v1;
	v59 =	vperm.xlane v8, v1  }
0xf5: {  	v57 =	vsel vm3, v11, v10;
	vm3 =	vgt.f32 v17, v16;
	vm12 =	vlt.s32 v15, v14  }
0xf6: {  	vm4 =	vmand vm11, vm12;
	vm13 =	veq.f32 v58, v7;
	vm14 =	vlt.s32 v59, v8  }
0xf7: {  	vm3 =	vmor vm3, vm4;
	vm15 =	vgt.f32 v58, v7;
	vm5 =	vmand vm13, vm14  }
0xf8: {  	v6 =	vsel vm0, v6, v57;
	v7 =	vsel vm3, v15, v14;
	vm3 =	vmor vm15, vm5  }
0xf9: {  	v6 =	vsel vm1, v6, v7;
	v7 =	vsel vm3, v59, v8  }
0xfa: {  	v6 =	vsel vm2, v6, v7  }
0xfb: {  	[tilespmem:$0x8000] =	vst v6  }
0xfc: {  	[spmem:s7] =	stream.linear.scatter [tilespmem:s15], [sflag:$0x5], $0x10, $0x38;
	[tilespmem:$0x8190] =	vst v63  }
0xfd: {  	_ =	swait.ge [sflag:s16], $0x10  }
0xfe: {  	[sflag:s16] =	ssyncset.done $0x0  }
0xff: {  	[sflag:s16] =	ssyncadd.s32 $0xFFFFFFF0  }
0x100: {  	[bflag:$0x0] =	sbarrier.arrive $0xFFFF  }
0x101: {  	[tilespmem:s17], [sflag:$0x5] =	stream.linear.gather [spmem:s8], $0x40, $0x38;
	[tilespmem:$0x8190] =	vst v63  }
0x102: {  	_ =	swait.ge [sflag:s16], $0x40  }
0x103: {  	[sflag:s16] =	ssyncset.done $0x0  }
0x104: {  	[sflag:s16] =	ssyncadd.s32 $0xFFFFFFC0  }
0x105: {  	v6 =	vld [tilespmem:$0x8090]  }
0x106: {  	v7 =	vld [tilespmem:$0x80A0]  }
0x107: {  	v60 =	vld [tilespmem:$0x80B0]  }
0x108: {  	v61 =	vld [tilespmem:$0x80C0]  }
0x109: {  	v62 =	vcombine.low v5, v4;
	_ =	sdelay $0x1  }
0x10a: {  	v63 =	vcombine.low v4, v5;
	v7 =	vperm.xlane v7, v62  }
0x10b: {  	vm3 =	vmmov $0xf;
	v8 =	vperm.xlane v60, v1  }
0x10c: {  	v6 =	vsel vm3, v6, v7;
	vm3 =	vmmov $0xff;
	v7 =	vperm.xlane v61, v63  }
0x10d: {  	v6 =	vsel vm3, v6, v8;
	vm3 =	vmmov $0xfff  }
0x10e: {  	s18 =	sadd.s32 $0x1, s18;
	v6 =	vsel vm3, v6, v7  }
0x10f: {  	s19 =	simm.s32 @!p0 $0x0;
	s20 =	simm.s32 @!p0 $0x8110;
	p1 =	sne.s32 s18, s10;
	[tilespmem:$0x8110] =	vst v6  }
0x110: {  	[hbm4b:s9+s19] =	stream.linear.scatter @!p0 [tilespmem:s20], [sflag:$0x5], $0x10, $0x38;
	[tilespmem:$0x8190] =	vst v63  }
.Ltmp8:
0x111: {  	_ = 	snop;
	(pc) =	sbr.rel @p1 .LBB2_1-.Ltmp8, $4  }
0x112: {  	s19 =	simm.s32 @!p0 $0x5  }
0x113: {  	_ =	swait.ge @!p0 [sflag:s19], $0x10  }
0x114: {  	[sflag:s19] =	ssyncset.done @!p0 $0x0  }
0x115: {  	[sflag:s19] =	ssyncadd.s32 @!p0 $0xFFFFFFF0  }
0x116: {  	_ =	sfence.sel $0x180000  }
0x117: {  	[bflag:$0x0] =	sbarrier.arrive $0xFFFF  }
0x118: {  	p0 =	sne.s32 s1, $0x0;
	_ =	strace $0x90000047  }
0x119: {  	s0 =	sadd.s32 @!p0 $0x100000, s0;
	[bflag:$0x2] =	sbarrier.arrive $0xFFFF  }
0x11a: {  	[sflag:s0] =	ssyncadd.tile.s32 @!p0 $0x1;
	_ =	shalt  }
.Lfunc_end2:
_tile_overlayer_lowered:
.L_overlay_start_2:
0x11b: {  	(tag) =	ssettag $0x2  }
0x11c: {  	s0 =	rddreg [dreg:$0x0];
	s2 =	stileid.u32  }
0x11d: {  	s1 =	rddreg [dreg:$0x1];
	p0 =	sne.s32 s2, $0x0  }
0x11e: {  	s3 =	rddreg [dreg:$0x2];
	[bflag:$0x3] =	sbarrier.arrive $0xFFFF;
	s2 =	simm.s32 @!p0 $0x1C05  }
0x11f: {  	[timem:s3], [sflag:s2] =	dma.local @!p0 [hbm:s0], s1  }
0x120: {  	s0 =	simm.s32 @!p0 $0x5  }
0x121: {  	_ =	swait.ge @!p0 [sflag:s0], s1  }
0x122: {  	s1 =	ssub.s32 @!p0 $0x0, s1;
	[sflag:s0] =	ssyncset.done @!p0 $0x0  }
0x123: {  	[sflag:s0] =	ssyncadd.s32 @!p0 s1  }
0x124: {  	[bflag:$0x3] =	sbarrier.arrive $0xFFFF  }
0x125: {  	_ =	shalt  }

</sc_bundles>
